<compile_context>
chip_gen: v7x
topology: tpu7x:2x2x1
jax: 0.10.2.dev20260603
libtpu: 0.0.44.dev20260713+nightly
codegen_flags: <defaults>
</compile_context>

<pallas_src>
import functools

import jax
import jax.numpy as jnp
from jax import lax
from jax.experimental import pallas as pl
from jax.experimental.pallas import tpu as pltpu, tpu_sc as plsc

N = 10000
E = 320000
DIN = 128
DH = 128
DOUT = 64
EPS = 1e-5

NC = 2
NS = 16
NW = NC * NS
B = 125
T = 80
N_ROWS = 10016
RPT = N_ROWS // NS

BN = 2000
GRID = N // BN



R = T


DDEG = 16


def _make_sc_seg_sum(D, with_deg):
    mesh = plsc.VectorSubcoreMesh(core_axis_name="c", subcore_axis_name="s")

    out_type = [jax.ShapeDtypeStruct((NC, N_ROWS, D), jnp.float32)]
    scratch = [
        pltpu.VMEM((4, B), jnp.int32),
        pltpu.VMEM((4, B), jnp.int32),
        pltpu.VMEM((2, B, D), jnp.float32),
        pltpu.VMEM_SHARED((N_ROWS, D), jnp.float32),
        pltpu.SemaphoreType.DMA((4,)),
        pltpu.SemaphoreType.DMA((4,)),
        pltpu.SemaphoreType.DMA((2,)),
        pltpu.SemaphoreType.DMA((2,)),
    ]
    if with_deg:
        out_type.append(jax.ShapeDtypeStruct((NC, N_ROWS, DDEG), jnp.float32))
        scratch += [
            pltpu.VMEM((B, DDEG), jnp.float32),
            pltpu.VMEM_SHARED((N_ROWS, DDEG), jnp.float32),
            pltpu.SemaphoreType.DMA((2,)),
        ]

    def seg_sum(table, src_idx, dst_idx, zeros, *rest):
        if with_deg:
            (ones_hbm, z16, out, deg_out, sib, dib, bufs, acc,
             isems, jsems, gsems, ssems, ones_v, dacc, dsems) = rest
        else:
            (out, sib, dib, bufs, acc,
             isems, jsems, gsems, ssems) = rest
        c = lax.axis_index("c")
        s = lax.axis_index("s")
        w = c * NS + s

        pltpu.async_copy(src_idx.at[w, 0], sib.at[0], isems.at[0])
        pltpu.async_copy(dst_idx.at[w, 0], dib.at[0], jsems.at[0])
        pltpu.sync_copy(zeros, acc.at[pl.ds(s * RPT, RPT)])
        if with_deg:
            pltpu.sync_copy(ones_hbm, ones_v)
            pltpu.sync_copy(z16, dacc.at[pl.ds(s * RPT, RPT)])
        plsc.subcore_barrier()

        def round_body(r, carry):
            slot = lax.rem(r, 4)
            st = lax.rem(r, 2)
            oslot = lax.rem(r + 3, 4)
            ost = 1 - st

            @pl.when(r >= 2)
            def _drain():
                dslot = lax.rem(r + 2, 4)
                pltpu.make_async_copy(bufs.at[st], acc.at[dib.at[dslot]],
                                      ssems.at[st]).wait()
                if with_deg:
                    pltpu.make_async_copy(ones_v, dacc.at[dib.at[dslot]],
                                          dsems.at[st]).wait()

            @pl.when(r < R)
            def _gather():
                @pl.when(r + 1 < R)
                def _prefetch():
                    nslot = lax.rem(r + 1, 4)
                    pltpu.async_copy(src_idx.at[w, r + 1], sib.at[nslot],
                                     isems.at[nslot])
                    pltpu.async_copy(dst_idx.at[w, r + 1], dib.at[nslot],
                                     jsems.at[nslot])
                pltpu.make_async_copy(src_idx.at[w, 0], sib.at[slot],
                                      isems.at[slot]).wait()
                pltpu.async_copy(table.at[sib.at[slot]], bufs.at[st],
                                 gsems.at[st])

            @pl.when((r >= 1) & (r <= R))
            def _scatter():
                pltpu.make_async_copy(table.at[sib.at[oslot]], bufs.at[ost],
                                      gsems.at[ost]).wait()
                pltpu.make_async_copy(dst_idx.at[w, 0], dib.at[oslot],
                                      jsems.at[oslot]).wait()
                pltpu.async_copy(bufs.at[ost], acc.at[dib.at[oslot]],
                                 ssems.at[ost], add=True)
                if with_deg:
                    pltpu.async_copy(ones_v, dacc.at[dib.at[oslot]],
                                     dsems.at[ost], add=True)

            return carry

        lax.fori_loop(0, R + 2, round_body, 0)
        plsc.subcore_barrier()

        pltpu.sync_copy(acc.at[pl.ds(s * RPT, RPT)],
                        out.at[c, pl.ds(s * RPT, RPT)])
        if with_deg:
            pltpu.sync_copy(dacc.at[pl.ds(s * RPT, RPT)],
                            deg_out.at[c, pl.ds(s * RPT, RPT)])

    return pl.kernel(
        seg_sum,
        out_type=out_type if len(out_type) > 1 else out_type[0],
        mesh=mesh,
        compiler_params=pltpu.CompilerParams(use_tc_tiling_on_sc=False),
        scratch_types=scratch,
    )


_sc_seg_sum_deg = _make_sc_seg_sum(DH, with_deg=True)
_sc_seg_sum_128 = _make_sc_seg_sum(DH, with_deg=False)
_sc_seg_sum_64 = _make_sc_seg_sum(DOUT, with_deg=False)



def _row_spec(d):
    return pl.BlockSpec((BN, d), lambda i: (i, 0))


def _acc_spec(part, d):
    return pl.BlockSpec((1, BN, d), lambda i, _p=part: (_p, i, 0))


def _full_spec(r, d):
    return pl.BlockSpec((r, d), lambda i: (0, 0))


def _stage_a_body(x, wl, wr, b, t_out, hr_out):
    xb = x[...]
    t_out[...] = jnp.dot(xb, wl[...], preferred_element_type=jnp.float32)
    hr_out[...] = jnp.dot(xb, wr[...], preferred_element_type=jnp.float32) + b[...]


def _stage_a(x, wl, wr, b):
    return pl.pallas_call(
        _stage_a_body,
        grid=(GRID,),
        in_specs=[_row_spec(DIN), _full_spec(DIN, DH), _full_spec(DIN, DH),
                  _full_spec(1, DH)],
        out_specs=[_row_spec(DH), _row_spec(DH)],
        out_shape=[jax.ShapeDtypeStruct((N, DH), jnp.float32),
                   jax.ShapeDtypeStruct((N, DH), jnp.float32)],
    )(x, wl, wr, b)


def _stage_b2_body(accA, accB, degA, degB, hr, wl, wr, b,
                   t_out, hr_out, inv_out):
    a = accA[0] + accB[0]
    deg = degA[0, :, 0:1] + degB[0, :, 0:1]
    inv = 1.0 / jnp.maximum(deg, 1.0)
    h = jnp.maximum(a * inv + hr[...], 0.0)
    t_out[...] = jnp.dot(h, wl[...], preferred_element_type=jnp.float32)
    hr_out[...] = jnp.dot(h, wr[...], preferred_element_type=jnp.float32) + b[...]
    inv_out[...] = jnp.broadcast_to(inv, (BN, 8))


def _stage_b2(acc, deg, hr, wl, wr, b):
    return pl.pallas_call(
        _stage_b2_body,
        grid=(GRID,),
        in_specs=[_acc_spec(0, DH), _acc_spec(1, DH),
                  _acc_spec(0, DDEG), _acc_spec(1, DDEG), _row_spec(DH),
                  _full_spec(DH, DH), _full_spec(DH, DH), _full_spec(1, DH)],
        out_specs=[_row_spec(DH), _row_spec(DH), _row_spec(8)],
        out_shape=[jax.ShapeDtypeStruct((N, DH), jnp.float32),
                   jax.ShapeDtypeStruct((N, DH), jnp.float32),
                   jax.ShapeDtypeStruct((N, 8), jnp.float32)],
    )(acc, acc, deg, deg, hr, wl, wr, b)


def _stage_b3_body(accA, accB, hr, inv_in, wl, wr, b, t_out, hr_out):
    a = accA[0] + accB[0]
    inv = inv_in[:, 0:1]
    h = jnp.maximum(a * inv + hr[...], 0.0)
    t_out[...] = jnp.dot(h, wl[...], preferred_element_type=jnp.float32)
    hr_out[...] = jnp.dot(h, wr[...], preferred_element_type=jnp.float32) + b[...]


def _stage_b3(acc, hr, inv, wl, wr, b):
    return pl.pallas_call(
        _stage_b3_body,
        grid=(GRID,),
        in_specs=[_acc_spec(0, DH), _acc_spec(1, DH), _row_spec(DH),
                  _row_spec(8),
                  _full_spec(DH, DOUT), _full_spec(DH, DOUT), _full_spec(1, DOUT)],
        out_specs=[_row_spec(DOUT), _row_spec(DOUT)],
        out_shape=[jax.ShapeDtypeStruct((N, DOUT), jnp.float32),
                   jax.ShapeDtypeStruct((N, DOUT), jnp.float32)],
    )(acc, acc, hr, inv, wl, wr, b)


def _stage_c_body(accA, accB, hr, inv_in, out):
    a = accA[0] + accB[0]
    inv = inv_in[:, 0:1]
    h = a * inv + hr[...]
    m = jnp.max(h, axis=1, keepdims=True)
    e = jnp.exp(h - m)
    lse = jnp.log(jnp.sum(e, axis=1, keepdims=True))
    out[...] = h - m - lse


def _stage_c(acc, hr, inv):
    return pl.pallas_call(
        _stage_c_body,
        grid=(GRID,),
        in_specs=[_acc_spec(0, DOUT), _acc_spec(1, DOUT), _row_spec(DOUT),
                  _row_spec(8)],
        out_specs=_row_spec(DOUT),
        out_shape=jax.ShapeDtypeStruct((N, DOUT), jnp.float32),
    )(acc, acc, hr, inv)



def kernel(x, edge_index, W_l1, W_r1, b1, g1, be1, W_l2, W_r2, b2, g2, be2,
           W_l3, W_r3, b3):
    s1 = g1 / jnp.sqrt(1.0 + EPS)
    s2 = g2 / jnp.sqrt(1.0 + EPS)
    wl1 = W_l1 * s1
    wr1 = W_r1 * s1
    bb1 = (b1 * s1 + be1).reshape(1, DH)
    wl2 = W_l2 * s2
    wr2 = W_r2 * s2
    bb2 = (b2 * s2 + be2).reshape(1, DH)
    bb3 = b3.reshape(1, DOUT)

    src = edge_index[0].reshape(NW, T, B)
    dst = edge_index[1].reshape(NW, T, B)

    z128 = jnp.zeros((RPT, DH), jnp.float32)
    z64 = jnp.zeros((RPT, DOUT), jnp.float32)
    z16 = jnp.zeros((RPT, DDEG), jnp.float32)
    ones16 = jnp.ones((B, DDEG), jnp.float32)

    t1, hr1 = _stage_a(x, wl1, wr1, bb1)
    acc1, deg = _sc_seg_sum_deg(t1, src, dst, z128, ones16, z16)
    t2, hr2, inv = _stage_b2(acc1, deg, hr1, wl2, wr2, bb2)
    acc2 = _sc_seg_sum_128(t2, src, dst, z128)
    t3, hr3 = _stage_b3(acc2, hr2, inv, W_l3, W_r3, bb3)
    acc3 = _sc_seg_sum_64(t3, src, dst, z64)
    return _stage_c(acc3, hr3, inv)

# --- scband reference (transcript-rebuilt; emitter-appended) ---
"""Pipeline reference for scband-sage-no-feat-43396349559019 (READ-ONLY COPY).

The authoritative reference and input builder live on the scoring server;
editing this copy changes nothing except your own understanding.
"""

import jax, jax.numpy as jnp
import numpy as np

N = 10000
E = 320000
DIN = 128
DH = 128
DOUT = 64
EPS = 1e-5


def setup_inputs(seed: int = 0) -> dict:
    key = jax.random.key(seed)
    ks = jax.random.split(key, 16)
    x = jax.random.normal(ks[0], (N, DIN), dtype=jnp.float32)
    edge_index = jax.random.randint(ks[1], (2, E), 0, N, dtype=jnp.int32)
    s = 0.1
    return {
        'x': x,
        'edge_index': edge_index,
        'W_l1': jax.random.normal(ks[2], (DIN, DH), dtype=jnp.float32) * s,
        'W_r1': jax.random.normal(ks[3], (DIN, DH), dtype=jnp.float32) * s,
        'b1': jnp.zeros((DH,), dtype=jnp.float32),
        'g1': jnp.ones((DH,), dtype=jnp.float32),
        'be1': jnp.zeros((DH,), dtype=jnp.float32),
        'W_l2': jax.random.normal(ks[4], (DH, DH), dtype=jnp.float32) * s,
        'W_r2': jax.random.normal(ks[5], (DH, DH), dtype=jnp.float32) * s,
        'b2': jnp.zeros((DH,), dtype=jnp.float32),
        'g2': jnp.ones((DH,), dtype=jnp.float32),
        'be2': jnp.zeros((DH,), dtype=jnp.float32),
        'W_l3': jax.random.normal(ks[6], (DH, DOUT), dtype=jnp.float32) * s,
        'W_r3': jax.random.normal(ks[7], (DH, DOUT), dtype=jnp.float32) * s,
        'b3': jnp.zeros((DOUT,), dtype=jnp.float32),
    }


def _sage_conv(h, edge_index, Wl, Wr, b):
    # PyG SAGEConv with mean aggregation: out = lin_l(mean_j x_j) + lin_r(x_i) + bias
    src = edge_index[0]
    dst = edge_index[1]
    msg = jnp.take(h, src, axis=0)
    agg = jax.ops.segment_sum(msg, dst, num_segments=N)
    deg = jax.ops.segment_sum(jnp.ones((E,), dtype=h.dtype), dst, num_segments=N)
    agg = agg / jnp.maximum(deg, 1.0)[:, None]
    return agg @ Wl + h @ Wr + b


def _bn_eval(h, gamma, beta):
    # BatchNorm1d in eval mode with freshly-initialized running stats (mean=0, var=1)
    return h / jnp.sqrt(1.0 + EPS) * gamma + beta


def reference(x, edge_index, W_l1, W_r1, b1, g1, be1, W_l2, W_r2, b2, g2, be2, W_l3, W_r3, b3):
    h = _sage_conv(x, edge_index, W_l1, W_r1, b1)
    h = _bn_eval(h, g1, be1)
    h = jax.nn.relu(h)
    # dropout is identity in eval mode
    h = _sage_conv(h, edge_index, W_l2, W_r2, b2)
    h = _bn_eval(h, g2, be2)
    h = jax.nn.relu(h)
    h = _sage_conv(h, edge_index, W_l3, W_r3, b3)
    return jax.nn.log_softmax(h, axis=-1)

if __name__ == "__main__":
    import jax
    _d = setup_inputs()
    print(jax.jit(kernel)(*tuple(_d.values())))

</pallas_src>

<mosaic_0001>
#map = affine_map<(d0, d1) -> (0, 0)>
#map1 = affine_map<(d0, d1) -> (0, 0, 0)>
module attributes {stable_mosaic.version = 14 : i64} {
  func.func @seg_sum(%arg0: i32, %arg1: i32, %arg2: memref<10000x64xf32, #tpu.memory_space<hbm>>, %arg3: memref<32x80x125xi32, #tpu.memory_space<hbm>>, %arg4: memref<32x80x125xi32, #tpu.memory_space<hbm>>, %arg5: memref<626x64xf32, #tpu.memory_space<hbm>>, %arg6: memref<2x10016x64xf32, #tpu.memory_space<hbm>>, %arg7: memref<4x125xi32, #tpu.memory_space<vmem>>, %arg8: memref<4x125xi32, #tpu.memory_space<vmem>>, %arg9: memref<2x125x64xf32, #tpu.memory_space<vmem>>, %arg10: memref<10016x64xf32, #tpu.memory_space<vmem_shared>>, %arg11: memref<4x!tpu.dma_semaphore, #tpu.memory_space<semaphore_mem>>, %arg12: memref<4x!tpu.dma_semaphore, #tpu.memory_space<semaphore_mem>>, %arg13: memref<2x!tpu.dma_semaphore, #tpu.memory_space<semaphore_mem>>, %arg14: memref<2x!tpu.dma_semaphore, #tpu.memory_space<semaphore_mem>>) attributes {dimension_semantics = [#tpu.dimension_semantics<core_parallel>, #tpu.dimension_semantics<subcore_parallel>], iteration_bounds = array<i64: 2, 16>, scalar_prefetch = 0 : i64, scratch_operands = 8 : i64, tpu.core_type = #tpu.core_type<sc_vector_subcore>, window_params = [{transform_indices = #map}, {transform_indices = #map1}, {transform_indices = #map1}, {transform_indices = #map}, {transform_indices = #map1}]} {
    %mul3A = arith.constant 16 : i32
    %mul3A_0 = arith.muli %arg0, %mul3A : i32
    %add3A = arith.addi %mul3A_0, %arg1 : i32
    %dma_start3A = arith.constant 0 : i32
    %dma_start3A_1 = arith.constant 0 : i32
    %dma_start3A_2 = arith.constant 0 : i32
    %dma_start3A_3 = arith.constant 0 : i32
    %dma_start3A_4 = tpu.memref_slice %arg7[%dma_start3A_1, %dma_start3A_3] : memref<4x125xi32, #tpu.memory_space<vmem>> -> memref<1x125xi32, #tpu.memory_space<vmem>>
    %dma_start3A_5 = tpu.memref_squeeze %dma_start3A_4 : memref<1x125xi32, #tpu.memory_space<vmem>> -> memref<125xi32, #tpu.memory_space<vmem>>
    %dma_start3A_6 = arith.constant 0 : i32
    %dma_start3A_7 = tpu.memref_slice %arg3[%add3A, %dma_start3A, %dma_start3A_6] : memref<32x80x125xi32, #tpu.memory_space<hbm>> -> memref<1x1x125xi32, #tpu.memory_space<hbm>>
    %dma_start3A_8 = tpu.memref_squeeze %dma_start3A_7 : memref<1x1x125xi32, #tpu.memory_space<hbm>> -> memref<125xi32, #tpu.memory_space<hbm>>
    %dma_start3A_9 = tpu.memref_slice %arg11[%dma_start3A_2] : memref<4x!tpu.dma_semaphore, #tpu.memory_space<semaphore_mem>> -> memref<1x!tpu.dma_semaphore, #tpu.memory_space<semaphore_mem>>
    %dma_start3A_10 = tpu.memref_squeeze %dma_start3A_9 : memref<1x!tpu.dma_semaphore, #tpu.memory_space<semaphore_mem>> -> memref<!tpu.dma_semaphore, #tpu.memory_space<semaphore_mem>>
    %dma_start3A_11 = arith.constant 0 : i32
    %dma_start3A_12 = tpu.memref_slice %arg7[%dma_start3A_1, %dma_start3A_11] : memref<4x125xi32, #tpu.memory_space<vmem>> -> memref<1x125xi32, #tpu.memory_space<vmem>>
    %dma_start3A_13 = tpu.memref_squeeze %dma_start3A_12 : memref<1x125xi32, #tpu.memory_space<vmem>> -> memref<125xi32, #tpu.memory_space<vmem>>
    %dma_start3A_14 = arith.constant 0 : i32
    %dma_start3A_15 = tpu.memref_slice %arg3[%add3A, %dma_start3A, %dma_start3A_14] : memref<32x80x125xi32, #tpu.memory_space<hbm>> -> memref<1x1x125xi32, #tpu.memory_space<hbm>>
    %dma_start3A_16 = tpu.memref_squeeze %dma_start3A_15 : memref<1x1x125xi32, #tpu.memory_space<hbm>> -> memref<125xi32, #tpu.memory_space<hbm>>
    tpu.enqueue_dma source(%dma_start3A_16 : memref<125xi32, #tpu.memory_space<hbm>>) target(%dma_start3A_13 : memref<125xi32, #tpu.memory_space<vmem>>) target_semaphore(%dma_start3A_10 : memref<!tpu.dma_semaphore, #tpu.memory_space<semaphore_mem>>)
    %dma_start3A_17 = arith.constant 0 : i32
    %dma_start3A_18 = arith.constant 0 : i32
    %dma_start3A_19 = arith.constant 0 : i32
    %dma_start3A_20 = arith.constant 0 : i32
    %dma_start3A_21 = tpu.memref_slice %arg8[%dma_start3A_18, %dma_start3A_20] : memref<4x125xi32, #tpu.memory_space<vmem>> -> memref<1x125xi32, #tpu.memory_space<vmem>>
    %dma_start3A_22 = tpu.memref_squeeze %dma_start3A_21 : memref<1x125xi32, #tpu.memory_space<vmem>> -> memref<125xi32, #tpu.memory_space<vmem>>
    %dma_start3A_23 = arith.constant 0 : i32
    %dma_start3A_24 = tpu.memref_slice %arg4[%add3A, %dma_start3A_17, %dma_start3A_23] : memref<32x80x125xi32, #tpu.memory_space<hbm>> -> memref<1x1x125xi32, #tpu.memory_space<hbm>>
    %dma_start3A_25 = tpu.memref_squeeze %dma_start3A_24 : memref<1x1x125xi32, #tpu.memory_space<hbm>> -> memref<125xi32, #tpu.memory_space<hbm>>
    %dma_start3A_26 = tpu.memref_slice %arg12[%dma_start3A_19] : memref<4x!tpu.dma_semaphore, #tpu.memory_space<semaphore_mem>> -> memref<1x!tpu.dma_semaphore, #tpu.memory_space<semaphore_mem>>
    %dma_start3A_27 = tpu.memref_squeeze %dma_start3A_26 : memref<1x!tpu.dma_semaphore, #tpu.memory_space<semaphore_mem>> -> memref<!tpu.dma_semaphore, #tpu.memory_space<semaphore_mem>>
    %dma_start3A_28 = arith.constant 0 : i32
    %dma_start3A_29 = tpu.memref_slice %arg8[%dma_start3A_18, %dma_start3A_28] : memref<4x125xi32, #tpu.memory_space<vmem>> -> memref<1x125xi32, #tpu.memory_space<vmem>>
    %dma_start3A_30 = tpu.memref_squeeze %dma_start3A_29 : memref<1x125xi32, #tpu.memory_space<vmem>> -> memref<125xi32, #tpu.memory_space<vmem>>
    %dma_start3A_31 = arith.constant 0 : i32
    %dma_start3A_32 = tpu.memref_slice %arg4[%add3A, %dma_start3A_17, %dma_start3A_31] : memref<32x80x125xi32, #tpu.memory_space<hbm>> -> memref<1x1x125xi32, #tpu.memory_space<hbm>>
    %dma_start3A_33 = tpu.memref_squeeze %dma_start3A_32 : memref<1x1x125xi32, #tpu.memory_space<hbm>> -> memref<125xi32, #tpu.memory_space<hbm>>
    tpu.enqueue_dma source(%dma_start3A_33 : memref<125xi32, #tpu.memory_space<hbm>>) target(%dma_start3A_30 : memref<125xi32, #tpu.memory_space<vmem>>) target_semaphore(%dma_start3A_27 : memref<!tpu.dma_semaphore, #tpu.memory_space<semaphore_mem>>)
    %mul3A_34 = arith.constant 626 : i32
    %mul3A_35 = arith.muli %arg1, %mul3A_34 : i32
    "tpu.region"() ({
      %run_scoped3A = tpu.sem_alloc : memref<!tpu.dma_semaphore, #tpu.memory_space<semaphore_mem>>
      %dma_start3A_46 = arith.constant 0 : i32
      %dma_start3A_47 = tpu.memref_slice %arg10[%mul3A_35, %dma_start3A_46] : memref<10016x64xf32, #tpu.memory_space<vmem_shared>> -> memref<626x64xf32, #tpu.memory_space<vmem_shared>>
      tpu.enqueue_dma source(%arg5 : memref<626x64xf32, #tpu.memory_space<hbm>>) target(%dma_start3A_47 : memref<626x64xf32, #tpu.memory_space<vmem_shared>>) target_semaphore(%run_scoped3A : memref<!tpu.dma_semaphore, #tpu.memory_space<semaphore_mem>>)
      %dma_wait3A = arith.constant 0 : i32
      %dma_wait3A_48 = tpu.memref_slice %arg10[%mul3A_35, %dma_wait3A] : memref<10016x64xf32, #tpu.memory_space<vmem_shared>> -> memref<626x64xf32, #tpu.memory_space<vmem_shared>>
      tpu.wait_dma2 semaphore(%run_scoped3A : memref<!tpu.dma_semaphore, #tpu.memory_space<semaphore_mem>>) src(%arg5 : memref<626x64xf32, #tpu.memory_space<hbm>>) dst(%dma_wait3A_48 : memref<626x64xf32, #tpu.memory_space<vmem_shared>>)
      tpu.yield
    }) : () -> ()
    %barrier3A = arith.constant 0 : index
    tpu.barrier barrier_id(%barrier3A)
    %scan3A = arith.constant 0 : i32
    %scan3A_36 = arith.constant 0 : i32
    %scan3A_37 = arith.constant 82 : i32
    %scan3A_38 = arith.addi %scan3A_36, %scan3A_37 : i32
    %scan3A_39 = arith.constant 1 : i32
    scf.for %scan3A_46 = %scan3A_36 to %scan3A_38 step %scan3A_39  : i32 {
      %rem3A = arith.constant 4 : i32
      %rem3A_47 = arith.remsi %scan3A_46, %rem3A : i32
      %rem3A_48 = arith.constant 2 : i32
      %rem3A_49 = arith.remsi %scan3A_46, %rem3A_48 : i32
      %add3A_50 = arith.constant 3 : i32
      %add3A_51 = arith.addi %scan3A_46, %add3A_50 : i32
      %rem3A_52 = arith.constant 4 : i32
      %rem3A_53 = arith.remsi %add3A_51, %rem3A_52 : i32
      %sub3A = arith.constant 1 : i32
      %sub3A_54 = arith.subi %sub3A, %rem3A_49 : i32
      %ge3A = arith.constant 2 : i32
      %ge3A_55 = arith.cmpi sge, %scan3A_46, %ge3A : i32
      %convert_element_type3A = arith.extui %ge3A_55 : i1 to i32
      %cond3A = arith.constant 0 : i32
      %cond3A_56 = arith.cmpi ne, %convert_element_type3A, %cond3A : i32
      scf.if %cond3A_56 {
        %add3A_67 = arith.constant 2 : i32
        %add3A_68 = arith.addi %scan3A_46, %add3A_67 : i32
        %rem3A_69 = arith.constant 4 : i32
        %rem3A_70 = arith.remsi %add3A_68, %rem3A_69 : i32
        %dma_wait3A = arith.constant 0 : i32
        %dma_wait3A_71 = arith.constant 0 : i32
        %dma_wait3A_72 = tpu.memref_slice %arg9[%rem3A_49, %dma_wait3A, %dma_wait3A_71] : memref<2x125x64xf32, #tpu.memory_space<vmem>> -> memref<1x125x64xf32, #tpu.memory_space<vmem>>
        %dma_wait3A_73 = tpu.memref_squeeze %dma_wait3A_72 : memref<1x125x64xf32, #tpu.memory_space<vmem>> -> memref<125x64xf32, #tpu.memory_space<vmem>>
        %dma_wait3A_74 = arith.constant 0 : i32
        %dma_wait3A_75 = tpu.memref_slice %arg8[%rem3A_70, %dma_wait3A_74] : memref<4x125xi32, #tpu.memory_space<vmem>> -> memref<1x125xi32, #tpu.memory_space<vmem>>
        %dma_wait3A_76 = tpu.memref_squeeze %dma_wait3A_75 : memref<1x125xi32, #tpu.memory_space<vmem>> -> memref<125xi32, #tpu.memory_space<vmem>>
        %dma_wait3A_77 = arith.constant 0 : i32
        %dma_wait3A_78 = arith.constant 0 : i32
        %dma_wait3A_79 = tpu.memref_slice %arg10[%dma_wait3A_77, %dma_wait3A_78] : memref<10016x64xf32, #tpu.memory_space<vmem_shared>> -> memref<10016x64xf32, #tpu.memory_space<vmem_shared>>
        %dma_wait3A_80 = tpu.memref_slice %arg14[%rem3A_49] : memref<2x!tpu.dma_semaphore, #tpu.memory_space<semaphore_mem>> -> memref<1x!tpu.dma_semaphore, #tpu.memory_space<semaphore_mem>>
        %dma_wait3A_81 = tpu.memref_squeeze %dma_wait3A_80 : memref<1x!tpu.dma_semaphore, #tpu.memory_space<semaphore_mem>> -> memref<!tpu.dma_semaphore, #tpu.memory_space<semaphore_mem>>
        tpu.wait_indirect_dma semaphore(%dma_wait3A_81 : memref<!tpu.dma_semaphore, #tpu.memory_space<semaphore_mem>>) src(%dma_wait3A_73 : memref<125x64xf32, #tpu.memory_space<vmem>>) dst(%dma_wait3A_79 : memref<10016x64xf32, #tpu.memory_space<vmem_shared>>)
      } else {
      }
      %lt3A = arith.constant 80 : i32
      %lt3A_57 = arith.cmpi slt, %scan3A_46, %lt3A : i32
      %convert_element_type3A_58 = arith.extui %lt3A_57 : i1 to i32
      %cond3A_59 = arith.constant 0 : i32
      %cond3A_60 = arith.cmpi ne, %convert_element_type3A_58, %cond3A_59 : i32
      scf.if %cond3A_60 {
        %add3A_67 = arith.constant 1 : i32
        %add3A_68 = arith.addi %scan3A_46, %add3A_67 : i32
        %lt3A_69 = arith.constant 80 : i32
        %lt3A_70 = arith.cmpi slt, %add3A_68, %lt3A_69 : i32
        %convert_element_type3A_71 = arith.extui %lt3A_70 : i1 to i32
        %cond3A_72 = arith.constant 0 : i32
        %cond3A_73 = arith.cmpi ne, %convert_element_type3A_71, %cond3A_72 : i32
        scf.if %cond3A_73 {
          %add3A_100 = arith.constant 1 : i32
          %add3A_101 = arith.addi %scan3A_46, %add3A_100 : i32
          %rem3A_102 = arith.constant 4 : i32
          %rem3A_103 = arith.remsi %add3A_101, %rem3A_102 : i32
          %add3A_104 = arith.constant 1 : i32
          %add3A_105 = arith.addi %scan3A_46, %add3A_104 : i32
          %dma_start3A_106 = arith.constant 0 : i32
          %dma_start3A_107 = tpu.memref_slice %arg7[%rem3A_103, %dma_start3A_106] : memref<4x125xi32, #tpu.memory_space<vmem>> -> memref<1x125xi32, #tpu.memory_space<vmem>>
          %dma_start3A_108 = tpu.memref_squeeze %dma_start3A_107 : memref<1x125xi32, #tpu.memory_space<vmem>> -> memref<125xi32, #tpu.memory_space<vmem>>
          %dma_start3A_109 = arith.constant 0 : i32
          %dma_start3A_110 = tpu.memref_slice %arg3[%add3A, %add3A_105, %dma_start3A_109] : memref<32x80x125xi32, #tpu.memory_space<hbm>> -> memref<1x1x125xi32, #tpu.memory_space<hbm>>
          %dma_start3A_111 = tpu.memref_squeeze %dma_start3A_110 : memref<1x1x125xi32, #tpu.memory_space<hbm>> -> memref<125xi32, #tpu.memory_space<hbm>>
          %dma_start3A_112 = tpu.memref_slice %arg11[%rem3A_103] : memref<4x!tpu.dma_semaphore, #tpu.memory_space<semaphore_mem>> -> memref<1x!tpu.dma_semaphore, #tpu.memory_space<semaphore_mem>>
          %dma_start3A_113 = tpu.memref_squeeze %dma_start3A_112 : memref<1x!tpu.dma_semaphore, #tpu.memory_space<semaphore_mem>> -> memref<!tpu.dma_semaphore, #tpu.memory_space<semaphore_mem>>
          %dma_start3A_114 = arith.constant 0 : i32
          %dma_start3A_115 = tpu.memref_slice %arg7[%rem3A_103, %dma_start3A_114] : memref<4x125xi32, #tpu.memory_space<vmem>> -> memref<1x125xi32, #tpu.memory_space<vmem>>
          %dma_start3A_116 = tpu.memref_squeeze %dma_start3A_115 : memref<1x125xi32, #tpu.memory_space<vmem>> -> memref<125xi32, #tpu.memory_space<vmem>>
          %dma_start3A_117 = arith.constant 0 : i32
          %dma_start3A_118 = tpu.memref_slice %arg3[%add3A, %add3A_105, %dma_start3A_117] : memref<32x80x125xi32, #tpu.memory_space<hbm>> -> memref<1x1x125xi32, #tpu.memory_space<hbm>>
          %dma_start3A_119 = tpu.memref_squeeze %dma_start3A_118 : memref<1x1x125xi32, #tpu.memory_space<hbm>> -> memref<125xi32, #tpu.memory_space<hbm>>
          tpu.enqueue_dma source(%dma_start3A_119 : memref<125xi32, #tpu.memory_space<hbm>>) target(%dma_start3A_116 : memref<125xi32, #tpu.memory_space<vmem>>) target_semaphore(%dma_start3A_113 : memref<!tpu.dma_semaphore, #tpu.memory_space<semaphore_mem>>)
          %add3A_120 = arith.constant 1 : i32
          %add3A_121 = arith.addi %scan3A_46, %add3A_120 : i32
          %dma_start3A_122 = arith.constant 0 : i32
          %dma_start3A_123 = tpu.memref_slice %arg8[%rem3A_103, %dma_start3A_122] : memref<4x125xi32, #tpu.memory_space<vmem>> -> memref<1x125xi32, #tpu.memory_space<vmem>>
          %dma_start3A_124 = tpu.memref_squeeze %dma_start3A_123 : memref<1x125xi32, #tpu.memory_space<vmem>> -> memref<125xi32, #tpu.memory_space<vmem>>
          %dma_start3A_125 = arith.constant 0 : i32
          %dma_start3A_126 = tpu.memref_slice %arg4[%add3A, %add3A_121, %dma_start3A_125] : memref<32x80x125xi32, #tpu.memory_space<hbm>> -> memref<1x1x125xi32, #tpu.memory_space<hbm>>
          %dma_start3A_127 = tpu.memref_squeeze %dma_start3A_126 : memref<1x1x125xi32, #tpu.memory_space<hbm>> -> memref<125xi32, #tpu.memory_space<hbm>>
          %dma_start3A_128 = tpu.memref_slice %arg12[%rem3A_103] : memref<4x!tpu.dma_semaphore, #tpu.memory_space<semaphore_mem>> -> memref<1x!tpu.dma_semaphore, #tpu.memory_space<semaphore_mem>>
          %dma_start3A_129 = tpu.memref_squeeze %dma_start3A_128 : memref<1x!tpu.dma_semaphore, #tpu.memory_space<semaphore_mem>> -> memref<!tpu.dma_semaphore, #tpu.memory_space<semaphore_mem>>
          %dma_start3A_130 = arith.constant 0 : i32
          %dma_start3A_131 = tpu.memref_slice %arg8[%rem3A_103, %dma_start3A_130] : memref<4x125xi32, #tpu.memory_space<vmem>> -> memref<1x125xi32, #tpu.memory_space<vmem>>
          %dma_start3A_132 = tpu.memref_squeeze %dma_start3A_131 : memref<1x125xi32, #tpu.memory_space<vmem>> -> memref<125xi32, #tpu.memory_space<vmem>>
          %dma_start3A_133 = arith.constant 0 : i32
          %dma_start3A_134 = tpu.memref_slice %arg4[%add3A, %add3A_121, %dma_start3A_133] : memref<32x80x125xi32, #tpu.memory_space<hbm>> -> memref<1x1x125xi32, #tpu.memory_space<hbm>>
          %dma_start3A_135 = tpu.memref_squeeze %dma_start3A_134 : memref<1x1x125xi32, #tpu.memory_space<hbm>> -> memref<125xi32, #tpu.memory_space<hbm>>
          tpu.enqueue_dma source(%dma_start3A_135 : memref<125xi32, #tpu.memory_space<hbm>>) target(%dma_start3A_132 : memref<125xi32, #tpu.memory_space<vmem>>) target_semaphore(%dma_start3A_129 : memref<!tpu.dma_semaphore, #tpu.memory_space<semaphore_mem>>)
        } else {
        }
        %dma_wait3A = arith.constant 0 : i32
        %dma_wait3A_74 = arith.constant 0 : i32
        %dma_wait3A_75 = tpu.memref_slice %arg7[%rem3A_47, %dma_wait3A_74] : memref<4x125xi32, #tpu.memory_space<vmem>> -> memref<1x125xi32, #tpu.memory_space<vmem>>
        %dma_wait3A_76 = tpu.memref_squeeze %dma_wait3A_75 : memref<1x125xi32, #tpu.memory_space<vmem>> -> memref<125xi32, #tpu.memory_space<vmem>>
        %dma_wait3A_77 = arith.constant 0 : i32
        %dma_wait3A_78 = tpu.memref_slice %arg3[%add3A, %dma_wait3A, %dma_wait3A_77] : memref<32x80x125xi32, #tpu.memory_space<hbm>> -> memref<1x1x125xi32, #tpu.memory_space<hbm>>
        %dma_wait3A_79 = tpu.memref_squeeze %dma_wait3A_78 : memref<1x1x125xi32, #tpu.memory_space<hbm>> -> memref<125xi32, #tpu.memory_space<hbm>>
        %dma_wait3A_80 = tpu.memref_slice %arg11[%rem3A_47] : memref<4x!tpu.dma_semaphore, #tpu.memory_space<semaphore_mem>> -> memref<1x!tpu.dma_semaphore, #tpu.memory_space<semaphore_mem>>
        %dma_wait3A_81 = tpu.memref_squeeze %dma_wait3A_80 : memref<1x!tpu.dma_semaphore, #tpu.memory_space<semaphore_mem>> -> memref<!tpu.dma_semaphore, #tpu.memory_space<semaphore_mem>>
        %dma_wait3A_82 = arith.constant 0 : i32
        %dma_wait3A_83 = tpu.memref_slice %arg7[%rem3A_47, %dma_wait3A_82] : memref<4x125xi32, #tpu.memory_space<vmem>> -> memref<1x125xi32, #tpu.memory_space<vmem>>
        %dma_wait3A_84 = tpu.memref_squeeze %dma_wait3A_83 : memref<1x125xi32, #tpu.memory_space<vmem>> -> memref<125xi32, #tpu.memory_space<vmem>>
        %dma_wait3A_85 = arith.constant 0 : i32
        %dma_wait3A_86 = tpu.memref_slice %arg3[%add3A, %dma_wait3A, %dma_wait3A_85] : memref<32x80x125xi32, #tpu.memory_space<hbm>> -> memref<1x1x125xi32, #tpu.memory_space<hbm>>
        %dma_wait3A_87 = tpu.memref_squeeze %dma_wait3A_86 : memref<1x1x125xi32, #tpu.memory_space<hbm>> -> memref<125xi32, #tpu.memory_space<hbm>>
        tpu.wait_dma2 semaphore(%dma_wait3A_81 : memref<!tpu.dma_semaphore, #tpu.memory_space<semaphore_mem>>) src(%dma_wait3A_87 : memref<125xi32, #tpu.memory_space<hbm>>) dst(%dma_wait3A_84 : memref<125xi32, #tpu.memory_space<vmem>>)
        %dma_start3A_88 = arith.constant 0 : i32
        %dma_start3A_89 = arith.constant 0 : i32
        %dma_start3A_90 = tpu.memref_slice %arg9[%rem3A_49, %dma_start3A_88, %dma_start3A_89] : memref<2x125x64xf32, #tpu.memory_space<vmem>> -> memref<1x125x64xf32, #tpu.memory_space<vmem>>
        %dma_start3A_91 = tpu.memref_squeeze %dma_start3A_90 : memref<1x125x64xf32, #tpu.memory_space<vmem>> -> memref<125x64xf32, #tpu.memory_space<vmem>>
        %dma_start3A_92 = arith.constant 0 : i32
        %dma_start3A_93 = tpu.memref_slice %arg7[%rem3A_47, %dma_start3A_92] : memref<4x125xi32, #tpu.memory_space<vmem>> -> memref<1x125xi32, #tpu.memory_space<vmem>>
        %dma_start3A_94 = tpu.memref_squeeze %dma_start3A_93 : memref<1x125xi32, #tpu.memory_space<vmem>> -> memref<125xi32, #tpu.memory_space<vmem>>
        %dma_start3A_95 = arith.constant 0 : i32
        %dma_start3A_96 = arith.constant 0 : i32
        %dma_start3A_97 = tpu.memref_slice %arg2[%dma_start3A_95, %dma_start3A_96] : memref<10000x64xf32, #tpu.memory_space<hbm>> -> memref<10000x64xf32, #tpu.memory_space<hbm>>
        %dma_start3A_98 = tpu.memref_slice %arg13[%rem3A_49] : memref<2x!tpu.dma_semaphore, #tpu.memory_space<semaphore_mem>> -> memref<1x!tpu.dma_semaphore, #tpu.memory_space<semaphore_mem>>
        %dma_start3A_99 = tpu.memref_squeeze %dma_start3A_98 : memref<1x!tpu.dma_semaphore, #tpu.memory_space<semaphore_mem>> -> memref<!tpu.dma_semaphore, #tpu.memory_space<semaphore_mem>>
        tpu.enqueue_indirect_dma source(%dma_start3A_97 : memref<10000x64xf32, #tpu.memory_space<hbm>>) target(%dma_start3A_91 : memref<125x64xf32, #tpu.memory_space<vmem>>) offsets(%dma_start3A_94 : memref<125xi32, #tpu.memory_space<vmem>>) semaphore(%dma_start3A_99 : memref<!tpu.dma_semaphore, #tpu.memory_space<semaphore_mem>>)
      } else {
      }
      %ge3A_61 = arith.constant 1 : i32
      %ge3A_62 = arith.cmpi sge, %scan3A_46, %ge3A_61 : i32
      %le3A = arith.constant 80 : i32
      %le3A_63 = arith.cmpi sle, %scan3A_46, %le3A : i32
      %and3A = arith.andi %ge3A_62, %le3A_63 : i1
      %convert_element_type3A_64 = arith.extui %and3A : i1 to i32
      %cond3A_65 = arith.constant 0 : i32
      %cond3A_66 = arith.cmpi ne, %convert_element_type3A_64, %cond3A_65 : i32
      scf.if %cond3A_66 {
        %dma_wait3A = arith.constant 0 : i32
        %dma_wait3A_67 = arith.constant 0 : i32
        %dma_wait3A_68 = tpu.memref_slice %arg9[%sub3A_54, %dma_wait3A, %dma_wait3A_67] : memref<2x125x64xf32, #tpu.memory_space<vmem>> -> memref<1x125x64xf32, #tpu.memory_space<vmem>>
        %dma_wait3A_69 = tpu.memref_squeeze %dma_wait3A_68 : memref<1x125x64xf32, #tpu.memory_space<vmem>> -> memref<125x64xf32, #tpu.memory_space<vmem>>
        %dma_wait3A_70 = arith.constant 0 : i32
        %dma_wait3A_71 = tpu.memref_slice %arg7[%rem3A_53, %dma_wait3A_70] : memref<4x125xi32, #tpu.memory_space<vmem>> -> memref<1x125xi32, #tpu.memory_space<vmem>>
        %dma_wait3A_72 = tpu.memref_squeeze %dma_wait3A_71 : memref<1x125xi32, #tpu.memory_space<vmem>> -> memref<125xi32, #tpu.memory_space<vmem>>
        %dma_wait3A_73 = arith.constant 0 : i32
        %dma_wait3A_74 = arith.constant 0 : i32
        %dma_wait3A_75 = tpu.memref_slice %arg2[%dma_wait3A_73, %dma_wait3A_74] : memref<10000x64xf32, #tpu.memory_space<hbm>> -> memref<10000x64xf32, #tpu.memory_space<hbm>>
        %dma_wait3A_76 = tpu.memref_slice %arg13[%sub3A_54] : memref<2x!tpu.dma_semaphore, #tpu.memory_space<semaphore_mem>> -> memref<1x!tpu.dma_semaphore, #tpu.memory_space<semaphore_mem>>
        %dma_wait3A_77 = tpu.memref_squeeze %dma_wait3A_76 : memref<1x!tpu.dma_semaphore, #tpu.memory_space<semaphore_mem>> -> memref<!tpu.dma_semaphore, #tpu.memory_space<semaphore_mem>>
        tpu.wait_indirect_dma semaphore(%dma_wait3A_77 : memref<!tpu.dma_semaphore, #tpu.memory_space<semaphore_mem>>) src(%dma_wait3A_75 : memref<10000x64xf32, #tpu.memory_space<hbm>>) dst(%dma_wait3A_69 : memref<125x64xf32, #tpu.memory_space<vmem>>)
        %dma_wait3A_78 = arith.constant 0 : i32
        %dma_wait3A_79 = arith.constant 0 : i32
        %dma_wait3A_80 = tpu.memref_slice %arg8[%rem3A_53, %dma_wait3A_79] : memref<4x125xi32, #tpu.memory_space<vmem>> -> memref<1x125xi32, #tpu.memory_space<vmem>>
        %dma_wait3A_81 = tpu.memref_squeeze %dma_wait3A_80 : memref<1x125xi32, #tpu.memory_space<vmem>> -> memref<125xi32, #tpu.memory_space<vmem>>
        %dma_wait3A_82 = arith.constant 0 : i32
        %dma_wait3A_83 = tpu.memref_slice %arg4[%add3A, %dma_wait3A_78, %dma_wait3A_82] : memref<32x80x125xi32, #tpu.memory_space<hbm>> -> memref<1x1x125xi32, #tpu.memory_space<hbm>>
        %dma_wait3A_84 = tpu.memref_squeeze %dma_wait3A_83 : memref<1x1x125xi32, #tpu.memory_space<hbm>> -> memref<125xi32, #tpu.memory_space<hbm>>
        %dma_wait3A_85 = tpu.memref_slice %arg12[%rem3A_53] : memref<4x!tpu.dma_semaphore, #tpu.memory_space<semaphore_mem>> -> memref<1x!tpu.dma_semaphore, #tpu.memory_space<semaphore_mem>>
        %dma_wait3A_86 = tpu.memref_squeeze %dma_wait3A_85 : memref<1x!tpu.dma_semaphore, #tpu.memory_space<semaphore_mem>> -> memref<!tpu.dma_semaphore, #tpu.memory_space<semaphore_mem>>
        %dma_wait3A_87 = arith.constant 0 : i32
        %dma_wait3A_88 = tpu.memref_slice %arg8[%rem3A_53, %dma_wait3A_87] : memref<4x125xi32, #tpu.memory_space<vmem>> -> memref<1x125xi32, #tpu.memory_space<vmem>>
        %dma_wait3A_89 = tpu.memref_squeeze %dma_wait3A_88 : memref<1x125xi32, #tpu.memory_space<vmem>> -> memref<125xi32, #tpu.memory_space<vmem>>
        %dma_wait3A_90 = arith.constant 0 : i32
        %dma_wait3A_91 = tpu.memref_slice %arg4[%add3A, %dma_wait3A_78, %dma_wait3A_90] : memref<32x80x125xi32, #tpu.memory_space<hbm>> -> memref<1x1x125xi32, #tpu.memory_space<hbm>>
        %dma_wait3A_92 = tpu.memref_squeeze %dma_wait3A_91 : memref<1x1x125xi32, #tpu.memory_space<hbm>> -> memref<125xi32, #tpu.memory_space<hbm>>
        tpu.wait_dma2 semaphore(%dma_wait3A_86 : memref<!tpu.dma_semaphore, #tpu.memory_space<semaphore_mem>>) src(%dma_wait3A_92 : memref<125xi32, #tpu.memory_space<hbm>>) dst(%dma_wait3A_89 : memref<125xi32, #tpu.memory_space<vmem>>)
        %dma_start3A_93 = arith.constant 0 : i32
        %dma_start3A_94 = arith.constant 0 : i32
        %dma_start3A_95 = tpu.memref_slice %arg9[%sub3A_54, %dma_start3A_93, %dma_start3A_94] : memref<2x125x64xf32, #tpu.memory_space<vmem>> -> memref<1x125x64xf32, #tpu.memory_space<vmem>>
        %dma_start3A_96 = tpu.memref_squeeze %dma_start3A_95 : memref<1x125x64xf32, #tpu.memory_space<vmem>> -> memref<125x64xf32, #tpu.memory_space<vmem>>
        %dma_start3A_97 = arith.constant 0 : i32
        %dma_start3A_98 = tpu.memref_slice %arg8[%rem3A_53, %dma_start3A_97] : memref<4x125xi32, #tpu.memory_space<vmem>> -> memref<1x125xi32, #tpu.memory_space<vmem>>
        %dma_start3A_99 = tpu.memref_squeeze %dma_start3A_98 : memref<1x125xi32, #tpu.memory_space<vmem>> -> memref<125xi32, #tpu.memory_space<vmem>>
        %dma_start3A_100 = arith.constant 0 : i32
        %dma_start3A_101 = arith.constant 0 : i32
        %dma_start3A_102 = tpu.memref_slice %arg10[%dma_start3A_100, %dma_start3A_101] : memref<10016x64xf32, #tpu.memory_space<vmem_shared>> -> memref<10016x64xf32, #tpu.memory_space<vmem_shared>>
        %dma_start3A_103 = tpu.memref_slice %arg14[%sub3A_54] : memref<2x!tpu.dma_semaphore, #tpu.memory_space<semaphore_mem>> -> memref<1x!tpu.dma_semaphore, #tpu.memory_space<semaphore_mem>>
        %dma_start3A_104 = tpu.memref_squeeze %dma_start3A_103 : memref<1x!tpu.dma_semaphore, #tpu.memory_space<semaphore_mem>> -> memref<!tpu.dma_semaphore, #tpu.memory_space<semaphore_mem>>
        tpu.enqueue_indirect_dma source(%dma_start3A_96 : memref<125x64xf32, #tpu.memory_space<vmem>>) target(%dma_start3A_102 : memref<10016x64xf32, #tpu.memory_space<vmem_shared>>) offsets(%dma_start3A_99 : memref<125xi32, #tpu.memory_space<vmem>>) semaphore(%dma_start3A_104 : memref<!tpu.dma_semaphore, #tpu.memory_space<semaphore_mem>>) {add = true}
      } else {
      }
    }
    %scan3A_40 = arith.constant 82 : i32
    %barrier3A_41 = arith.constant 0 : index
    tpu.barrier barrier_id(%barrier3A_41)
    %mul3A_42 = arith.constant 626 : i32
    %mul3A_43 = arith.muli %arg1, %mul3A_42 : i32
    %mul3A_44 = arith.constant 626 : i32
    %mul3A_45 = arith.muli %arg1, %mul3A_44 : i32
    "tpu.region"() ({
      %run_scoped3A = tpu.sem_alloc : memref<!tpu.dma_semaphore, #tpu.memory_space<semaphore_mem>>
      %dma_start3A_46 = arith.constant 0 : i32
      %dma_start3A_47 = tpu.memref_slice %arg6[%arg0, %mul3A_45, %dma_start3A_46] : memref<2x10016x64xf32, #tpu.memory_space<hbm>> -> memref<1x626x64xf32, #tpu.memory_space<hbm>>
      %dma_start3A_48 = tpu.memref_squeeze %dma_start3A_47 : memref<1x626x64xf32, #tpu.memory_space<hbm>> -> memref<626x64xf32, #tpu.memory_space<hbm>>
      %dma_start3A_49 = arith.constant 0 : i32
      %dma_start3A_50 = tpu.memref_slice %arg10[%mul3A_43, %dma_start3A_49] : memref<10016x64xf32, #tpu.memory_space<vmem_shared>> -> memref<626x64xf32, #tpu.memory_space<vmem_shared>>
      tpu.enqueue_dma source(%dma_start3A_50 : memref<626x64xf32, #tpu.memory_space<vmem_shared>>) target(%dma_start3A_48 : memref<626x64xf32, #tpu.memory_space<hbm>>) target_semaphore(%run_scoped3A : memref<!tpu.dma_semaphore, #tpu.memory_space<semaphore_mem>>)
      %dma_wait3A = arith.constant 0 : i32
      %dma_wait3A_51 = tpu.memref_slice %arg6[%arg0, %mul3A_45, %dma_wait3A] : memref<2x10016x64xf32, #tpu.memory_space<hbm>> -> memref<1x626x64xf32, #tpu.memory_space<hbm>>
      %dma_wait3A_52 = tpu.memref_squeeze %dma_wait3A_51 : memref<1x626x64xf32, #tpu.memory_space<hbm>> -> memref<626x64xf32, #tpu.memory_space<hbm>>
      %dma_wait3A_53 = arith.constant 0 : i32
      %dma_wait3A_54 = tpu.memref_slice %arg10[%mul3A_43, %dma_wait3A_53] : memref<10016x64xf32, #tpu.memory_space<vmem_shared>> -> memref<626x64xf32, #tpu.memory_space<vmem_shared>>
      tpu.wait_dma2 semaphore(%run_scoped3A : memref<!tpu.dma_semaphore, #tpu.memory_space<semaphore_mem>>) src(%dma_wait3A_54 : memref<626x64xf32, #tpu.memory_space<vmem_shared>>) dst(%dma_wait3A_52 : memref<626x64xf32, #tpu.memory_space<hbm>>)
      tpu.yield
    }) : () -> ()
    return
  }
}

#map = affine_map<(d0, d1) -> (0, 0)>
#map1 = affine_map<(d0, d1) -> (0, 0, 0)>
module attributes {stable_mosaic.version = 14 : i64} {
  func.func @seg_sum(%arg0: i32, %arg1: i32, %arg2: memref<10000x128xf32, #tpu.memory_space<hbm>>, %arg3: memref<32x80x125xi32, #tpu.memory_space<hbm>>, %arg4: memref<32x80x125xi32, #tpu.memory_space<hbm>>, %arg5: memref<626x128xf32, #tpu.memory_space<hbm>>, %arg6: memref<2x10016x128xf32, #tpu.memory_space<hbm>>, %arg7: memref<4x125xi32, #tpu.memory_space<vmem>>, %arg8: memref<4x125xi32, #tpu.memory_space<vmem>>, %arg9: memref<2x125x128xf32, #tpu.memory_space<vmem>>, %arg10: memref<10016x128xf32, #tpu.memory_space<vmem_shared>>, %arg11: memref<4x!tpu.dma_semaphore, #tpu.memory_space<semaphore_mem>>, %arg12: memref<4x!tpu.dma_semaphore, #tpu.memory_space<semaphore_mem>>, %arg13: memref<2x!tpu.dma_semaphore, #tpu.memory_space<semaphore_mem>>, %arg14: memref<2x!tpu.dma_semaphore, #tpu.memory_space<semaphore_mem>>) attributes {dimension_semantics = [#tpu.dimension_semantics<core_parallel>, #tpu.dimension_semantics<subcore_parallel>], iteration_bounds = array<i64: 2, 16>, scalar_prefetch = 0 : i64, scratch_operands = 8 : i64, tpu.core_type = #tpu.core_type<sc_vector_subcore>, window_params = [{transform_indices = #map}, {transform_indices = #map1}, {transform_indices = #map1}, {transform_indices = #map}, {transform_indices = #map1}]} {
    %mul3A = arith.constant 16 : i32
    %mul3A_0 = arith.muli %arg0, %mul3A : i32
    %add3A = arith.addi %mul3A_0, %arg1 : i32
    %dma_start3A = arith.constant 0 : i32
    %dma_start3A_1 = arith.constant 0 : i32
    %dma_start3A_2 = arith.constant 0 : i32
    %dma_start3A_3 = arith.constant 0 : i32
    %dma_start3A_4 = tpu.memref_slice %arg7[%dma_start3A_1, %dma_start3A_3] : memref<4x125xi32, #tpu.memory_space<vmem>> -> memref<1x125xi32, #tpu.memory_space<vmem>>
    %dma_start3A_5 = tpu.memref_squeeze %dma_start3A_4 : memref<1x125xi32, #tpu.memory_space<vmem>> -> memref<125xi32, #tpu.memory_space<vmem>>
    %dma_start3A_6 = arith.constant 0 : i32
    %dma_start3A_7 = tpu.memref_slice %arg3[%add3A, %dma_start3A, %dma_start3A_6] : memref<32x80x125xi32, #tpu.memory_space<hbm>> -> memref<1x1x125xi32, #tpu.memory_space<hbm>>
    %dma_start3A_8 = tpu.memref_squeeze %dma_start3A_7 : memref<1x1x125xi32, #tpu.memory_space<hbm>> -> memref<125xi32, #tpu.memory_space<hbm>>
    %dma_start3A_9 = tpu.memref_slice %arg11[%dma_start3A_2] : memref<4x!tpu.dma_semaphore, #tpu.memory_space<semaphore_mem>> -> memref<1x!tpu.dma_semaphore, #tpu.memory_space<semaphore_mem>>
    %dma_start3A_10 = tpu.memref_squeeze %dma_start3A_9 : memref<1x!tpu.dma_semaphore, #tpu.memory_space<semaphore_mem>> -> memref<!tpu.dma_semaphore, #tpu.memory_space<semaphore_mem>>
    %dma_start3A_11 = arith.constant 0 : i32
    %dma_start3A_12 = tpu.memref_slice %arg7[%dma_start3A_1, %dma_start3A_11] : memref<4x125xi32, #tpu.memory_space<vmem>> -> memref<1x125xi32, #tpu.memory_space<vmem>>
    %dma_start3A_13 = tpu.memref_squeeze %dma_start3A_12 : memref<1x125xi32, #tpu.memory_space<vmem>> -> memref<125xi32, #tpu.memory_space<vmem>>
    %dma_start3A_14 = arith.constant 0 : i32
    %dma_start3A_15 = tpu.memref_slice %arg3[%add3A, %dma_start3A, %dma_start3A_14] : memref<32x80x125xi32, #tpu.memory_space<hbm>> -> memref<1x1x125xi32, #tpu.memory_space<hbm>>
    %dma_start3A_16 = tpu.memref_squeeze %dma_start3A_15 : memref<1x1x125xi32, #tpu.memory_space<hbm>> -> memref<125xi32, #tpu.memory_space<hbm>>
    tpu.enqueue_dma source(%dma_start3A_16 : memref<125xi32, #tpu.memory_space<hbm>>) target(%dma_start3A_13 : memref<125xi32, #tpu.memory_space<vmem>>) target_semaphore(%dma_start3A_10 : memref<!tpu.dma_semaphore, #tpu.memory_space<semaphore_mem>>)
    %dma_start3A_17 = arith.constant 0 : i32
    %dma_start3A_18 = arith.constant 0 : i32
    %dma_start3A_19 = arith.constant 0 : i32
    %dma_start3A_20 = arith.constant 0 : i32
    %dma_start3A_21 = tpu.memref_slice %arg8[%dma_start3A_18, %dma_start3A_20] : memref<4x125xi32, #tpu.memory_space<vmem>> -> memref<1x125xi32, #tpu.memory_space<vmem>>
    %dma_start3A_22 = tpu.memref_squeeze %dma_start3A_21 : memref<1x125xi32, #tpu.memory_space<vmem>> -> memref<125xi32, #tpu.memory_space<vmem>>
    %dma_start3A_23 = arith.constant 0 : i32
    %dma_start3A_24 = tpu.memref_slice %arg4[%add3A, %dma_start3A_17, %dma_start3A_23] : memref<32x80x125xi32, #tpu.memory_space<hbm>> -> memref<1x1x125xi32, #tpu.memory_space<hbm>>
    %dma_start3A_25 = tpu.memref_squeeze %dma_start3A_24 : memref<1x1x125xi32, #tpu.memory_space<hbm>> -> memref<125xi32, #tpu.memory_space<hbm>>
    %dma_start3A_26 = tpu.memref_slice %arg12[%dma_start3A_19] : memref<4x!tpu.dma_semaphore, #tpu.memory_space<semaphore_mem>> -> memref<1x!tpu.dma_semaphore, #tpu.memory_space<semaphore_mem>>
    %dma_start3A_27 = tpu.memref_squeeze %dma_start3A_26 : memref<1x!tpu.dma_semaphore, #tpu.memory_space<semaphore_mem>> -> memref<!tpu.dma_semaphore, #tpu.memory_space<semaphore_mem>>
    %dma_start3A_28 = arith.constant 0 : i32
    %dma_start3A_29 = tpu.memref_slice %arg8[%dma_start3A_18, %dma_start3A_28] : memref<4x125xi32, #tpu.memory_space<vmem>> -> memref<1x125xi32, #tpu.memory_space<vmem>>
    %dma_start3A_30 = tpu.memref_squeeze %dma_start3A_29 : memref<1x125xi32, #tpu.memory_space<vmem>> -> memref<125xi32, #tpu.memory_space<vmem>>
    %dma_start3A_31 = arith.constant 0 : i32
    %dma_start3A_32 = tpu.memref_slice %arg4[%add3A, %dma_start3A_17, %dma_start3A_31] : memref<32x80x125xi32, #tpu.memory_space<hbm>> -> memref<1x1x125xi32, #tpu.memory_space<hbm>>
    %dma_start3A_33 = tpu.memref_squeeze %dma_start3A_32 : memref<1x1x125xi32, #tpu.memory_space<hbm>> -> memref<125xi32, #tpu.memory_space<hbm>>
    tpu.enqueue_dma source(%dma_start3A_33 : memref<125xi32, #tpu.memory_space<hbm>>) target(%dma_start3A_30 : memref<125xi32, #tpu.memory_space<vmem>>) target_semaphore(%dma_start3A_27 : memref<!tpu.dma_semaphore, #tpu.memory_space<semaphore_mem>>)
    %mul3A_34 = arith.constant 626 : i32
    %mul3A_35 = arith.muli %arg1, %mul3A_34 : i32
    "tpu.region"() ({
      %run_scoped3A = tpu.sem_alloc : memref<!tpu.dma_semaphore, #tpu.memory_space<semaphore_mem>>
      %dma_start3A_46 = arith.constant 0 : i32
      %dma_start3A_47 = tpu.memref_slice %arg10[%mul3A_35, %dma_start3A_46] : memref<10016x128xf32, #tpu.memory_space<vmem_shared>> -> memref<626x128xf32, #tpu.memory_space<vmem_shared>>
      tpu.enqueue_dma source(%arg5 : memref<626x128xf32, #tpu.memory_space<hbm>>) target(%dma_start3A_47 : memref<626x128xf32, #tpu.memory_space<vmem_shared>>) target_semaphore(%run_scoped3A : memref<!tpu.dma_semaphore, #tpu.memory_space<semaphore_mem>>)
      %dma_wait3A = arith.constant 0 : i32
      %dma_wait3A_48 = tpu.memref_slice %arg10[%mul3A_35, %dma_wait3A] : memref<10016x128xf32, #tpu.memory_space<vmem_shared>> -> memref<626x128xf32, #tpu.memory_space<vmem_shared>>
      tpu.wait_dma2 semaphore(%run_scoped3A : memref<!tpu.dma_semaphore, #tpu.memory_space<semaphore_mem>>) src(%arg5 : memref<626x128xf32, #tpu.memory_space<hbm>>) dst(%dma_wait3A_48 : memref<626x128xf32, #tpu.memory_space<vmem_shared>>)
      tpu.yield
    }) : () -> ()
    %barrier3A = arith.constant 0 : index
    tpu.barrier barrier_id(%barrier3A)
    %scan3A = arith.constant 0 : i32
    %scan3A_36 = arith.constant 0 : i32
    %scan3A_37 = arith.constant 82 : i32
    %scan3A_38 = arith.addi %scan3A_36, %scan3A_37 : i32
    %scan3A_39 = arith.constant 1 : i32
    scf.for %scan3A_46 = %scan3A_36 to %scan3A_38 step %scan3A_39  : i32 {
      %rem3A = arith.constant 4 : i32
      %rem3A_47 = arith.remsi %scan3A_46, %rem3A : i32
      %rem3A_48 = arith.constant 2 : i32
      %rem3A_49 = arith.remsi %scan3A_46, %rem3A_48 : i32
      %add3A_50 = arith.constant 3 : i32
      %add3A_51 = arith.addi %scan3A_46, %add3A_50 : i32
      %rem3A_52 = arith.constant 4 : i32
      %rem3A_53 = arith.remsi %add3A_51, %rem3A_52 : i32
      %sub3A = arith.constant 1 : i32
      %sub3A_54 = arith.subi %sub3A, %rem3A_49 : i32
      %ge3A = arith.constant 2 : i32
      %ge3A_55 = arith.cmpi sge, %scan3A_46, %ge3A : i32
      %convert_element_type3A = arith.extui %ge3A_55 : i1 to i32
      %cond3A = arith.constant 0 : i32
      %cond3A_56 = arith.cmpi ne, %convert_element_type3A, %cond3A : i32
      scf.if %cond3A_56 {
        %add3A_67 = arith.constant 2 : i32
        %add3A_68 = arith.addi %scan3A_46, %add3A_67 : i32
        %rem3A_69 = arith.constant 4 : i32
        %rem3A_70 = arith.remsi %add3A_68, %rem3A_69 : i32
        %dma_wait3A = arith.constant 0 : i32
        %dma_wait3A_71 = arith.constant 0 : i32
        %dma_wait3A_72 = tpu.memref_slice %arg9[%rem3A_49, %dma_wait3A, %dma_wait3A_71] : memref<2x125x128xf32, #tpu.memory_space<vmem>> -> memref<1x125x128xf32, #tpu.memory_space<vmem>>
        %dma_wait3A_73 = tpu.memref_squeeze %dma_wait3A_72 : memref<1x125x128xf32, #tpu.memory_space<vmem>> -> memref<125x128xf32, #tpu.memory_space<vmem>>
        %dma_wait3A_74 = arith.constant 0 : i32
        %dma_wait3A_75 = tpu.memref_slice %arg8[%rem3A_70, %dma_wait3A_74] : memref<4x125xi32, #tpu.memory_space<vmem>> -> memref<1x125xi32, #tpu.memory_space<vmem>>
        %dma_wait3A_76 = tpu.memref_squeeze %dma_wait3A_75 : memref<1x125xi32, #tpu.memory_space<vmem>> -> memref<125xi32, #tpu.memory_space<vmem>>
        %dma_wait3A_77 = arith.constant 0 : i32
        %dma_wait3A_78 = arith.constant 0 : i32
        %dma_wait3A_79 = tpu.memref_slice %arg10[%dma_wait3A_77, %dma_wait3A_78] : memref<10016x128xf32, #tpu.memory_space<vmem_shared>> -> memref<10016x128xf32, #tpu.memory_space<vmem_shared>>
        %dma_wait3A_80 = tpu.memref_slice %arg14[%rem3A_49] : memref<2x!tpu.dma_semaphore, #tpu.memory_space<semaphore_mem>> -> memref<1x!tpu.dma_semaphore, #tpu.memory_space<semaphore_mem>>
        %dma_wait3A_81 = tpu.memref_squeeze %dma_wait3A_80 : memref<1x!tpu.dma_semaphore, #tpu.memory_space<semaphore_mem>> -> memref<!tpu.dma_semaphore, #tpu.memory_space<semaphore_mem>>
        tpu.wait_indirect_dma semaphore(%dma_wait3A_81 : memref<!tpu.dma_semaphore, #tpu.memory_space<semaphore_mem>>) src(%dma_wait3A_73 : memref<125x128xf32, #tpu.memory_space<vmem>>) dst(%dma_wait3A_79 : memref<10016x128xf32, #tpu.memory_space<vmem_shared>>)
      } else {
      }
      %lt3A = arith.constant 80 : i32
      %lt3A_57 = arith.cmpi slt, %scan3A_46, %lt3A : i32
      %convert_element_type3A_58 = arith.extui %lt3A_57 : i1 to i32
      %cond3A_59 = arith.constant 0 : i32
      %cond3A_60 = arith.cmpi ne, %convert_element_type3A_58, %cond3A_59 : i32
      scf.if %cond3A_60 {
        %add3A_67 = arith.constant 1 : i32
        %add3A_68 = arith.addi %scan3A_46, %add3A_67 : i32
        %lt3A_69 = arith.constant 80 : i32
        %lt3A_70 = arith.cmpi slt, %add3A_68, %lt3A_69 : i32
        %convert_element_type3A_71 = arith.extui %lt3A_70 : i1 to i32
        %cond3A_72 = arith.constant 0 : i32
        %cond3A_73 = arith.cmpi ne, %convert_element_type3A_71, %cond3A_72 : i32
        scf.if %cond3A_73 {
          %add3A_100 = arith.constant 1 : i32
          %add3A_101 = arith.addi %scan3A_46, %add3A_100 : i32
          %rem3A_102 = arith.constant 4 : i32
          %rem3A_103 = arith.remsi %add3A_101, %rem3A_102 : i32
          %add3A_104 = arith.constant 1 : i32
          %add3A_105 = arith.addi %scan3A_46, %add3A_104 : i32
          %dma_start3A_106 = arith.constant 0 : i32
          %dma_start3A_107 = tpu.memref_slice %arg7[%rem3A_103, %dma_start3A_106] : memref<4x125xi32, #tpu.memory_space<vmem>> -> memref<1x125xi32, #tpu.memory_space<vmem>>
          %dma_start3A_108 = tpu.memref_squeeze %dma_start3A_107 : memref<1x125xi32, #tpu.memory_space<vmem>> -> memref<125xi32, #tpu.memory_space<vmem>>
          %dma_start3A_109 = arith.constant 0 : i32
          %dma_start3A_110 = tpu.memref_slice %arg3[%add3A, %add3A_105, %dma_start3A_109] : memref<32x80x125xi32, #tpu.memory_space<hbm>> -> memref<1x1x125xi32, #tpu.memory_space<hbm>>
          %dma_start3A_111 = tpu.memref_squeeze %dma_start3A_110 : memref<1x1x125xi32, #tpu.memory_space<hbm>> -> memref<125xi32, #tpu.memory_space<hbm>>
          %dma_start3A_112 = tpu.memref_slice %arg11[%rem3A_103] : memref<4x!tpu.dma_semaphore, #tpu.memory_space<semaphore_mem>> -> memref<1x!tpu.dma_semaphore, #tpu.memory_space<semaphore_mem>>
          %dma_start3A_113 = tpu.memref_squeeze %dma_start3A_112 : memref<1x!tpu.dma_semaphore, #tpu.memory_space<semaphore_mem>> -> memref<!tpu.dma_semaphore, #tpu.memory_space<semaphore_mem>>
          %dma_start3A_114 = arith.constant 0 : i32
          %dma_start3A_115 = tpu.memref_slice %arg7[%rem3A_103, %dma_start3A_114] : memref<4x125xi32, #tpu.memory_space<vmem>> -> memref<1x125xi32, #tpu.memory_space<vmem>>
          %dma_start3A_116 = tpu.memref_squeeze %dma_start3A_115 : memref<1x125xi32, #tpu.memory_space<vmem>> -> memref<125xi32, #tpu.memory_space<vmem>>
          %dma_start3A_117 = arith.constant 0 : i32
          %dma_start3A_118 = tpu.memref_slice %arg3[%add3A, %add3A_105, %dma_start3A_117] : memref<32x80x125xi32, #tpu.memory_space<hbm>> -> memref<1x1x125xi32, #tpu.memory_space<hbm>>
          %dma_start3A_119 = tpu.memref_squeeze %dma_start3A_118 : memref<1x1x125xi32, #tpu.memory_space<hbm>> -> memref<125xi32, #tpu.memory_space<hbm>>
          tpu.enqueue_dma source(%dma_start3A_119 : memref<125xi32, #tpu.memory_space<hbm>>) target(%dma_start3A_116 : memref<125xi32, #tpu.memory_space<vmem>>) target_semaphore(%dma_start3A_113 : memref<!tpu.dma_semaphore, #tpu.memory_space<semaphore_mem>>)
          %add3A_120 = arith.constant 1 : i32
          %add3A_121 = arith.addi %scan3A_46, %add3A_120 : i32
          %dma_start3A_122 = arith.constant 0 : i32
          %dma_start3A_123 = tpu.memref_slice %arg8[%rem3A_103, %dma_start3A_122] : memref<4x125xi32, #tpu.memory_space<vmem>> -> memref<1x125xi32, #tpu.memory_space<vmem>>
          %dma_start3A_124 = tpu.memref_squeeze %dma_start3A_123 : memref<1x125xi32, #tpu.memory_space<vmem>> -> memref<125xi32, #tpu.memory_space<vmem>>
          %dma_start3A_125 = arith.constant 0 : i32
          %dma_start3A_126 = tpu.memref_slice %arg4[%add3A, %add3A_121, %dma_start3A_125] : memref<32x80x125xi32, #tpu.memory_space<hbm>> -> memref<1x1x125xi32, #tpu.memory_space<hbm>>
          %dma_start3A_127 = tpu.memref_squeeze %dma_start3A_126 : memref<1x1x125xi32, #tpu.memory_space<hbm>> -> memref<125xi32, #tpu.memory_space<hbm>>
          %dma_start3A_128 = tpu.memref_slice %arg12[%rem3A_103] : memref<4x!tpu.dma_semaphore, #tpu.memory_space<semaphore_mem>> -> memref<1x!tpu.dma_semaphore, #tpu.memory_space<semaphore_mem>>
          %dma_start3A_129 = tpu.memref_squeeze %dma_start3A_128 : memref<1x!tpu.dma_semaphore, #tpu.memory_space<semaphore_mem>> -> memref<!tpu.dma_semaphore, #tpu.memory_space<semaphore_mem>>
          %dma_start3A_130 = arith.constant 0 : i32
          %dma_start3A_131 = tpu.memref_slice %arg8[%rem3A_103, %dma_start3A_130] : memref<4x125xi32, #tpu.memory_space<vmem>> -> memref<1x125xi32, #tpu.memory_space<vmem>>
          %dma_start3A_132 = tpu.memref_squeeze %dma_start3A_131 : memref<1x125xi32, #tpu.memory_space<vmem>> -> memref<125xi32, #tpu.memory_space<vmem>>
          %dma_start3A_133 = arith.constant 0 : i32
          %dma_start3A_134 = tpu.memref_slice %arg4[%add3A, %add3A_121, %dma_start3A_133] : memref<32x80x125xi32, #tpu.memory_space<hbm>> -> memref<1x1x125xi32, #tpu.memory_space<hbm>>
          %dma_start3A_135 = tpu.memref_squeeze %dma_start3A_134 : memref<1x1x125xi32, #tpu.memory_space<hbm>> -> memref<125xi32, #tpu.memory_space<hbm>>
          tpu.enqueue_dma source(%dma_start3A_135 : memref<125xi32, #tpu.memory_space<hbm>>) target(%dma_start3A_132 : memref<125xi32, #tpu.memory_space<vmem>>) target_semaphore(%dma_start3A_129 : memref<!tpu.dma_semaphore, #tpu.memory_space<semaphore_mem>>)
        } else {
        }
        %dma_wait3A = arith.constant 0 : i32
        %dma_wait3A_74 = arith.constant 0 : i32
        %dma_wait3A_75 = tpu.memref_slice %arg7[%rem3A_47, %dma_wait3A_74] : memref<4x125xi32, #tpu.memory_space<vmem>> -> memref<1x125xi32, #tpu.memory_space<vmem>>
        %dma_wait3A_76 = tpu.memref_squeeze %dma_wait3A_75 : memref<1x125xi32, #tpu.memory_space<vmem>> -> memref<125xi32, #tpu.memory_space<vmem>>
        %dma_wait3A_77 = arith.constant 0 : i32
        %dma_wait3A_78 = tpu.memref_slice %arg3[%add3A, %dma_wait3A, %dma_wait3A_77] : memref<32x80x125xi32, #tpu.memory_space<hbm>> -> memref<1x1x125xi32, #tpu.memory_space<hbm>>
        %dma_wait3A_79 = tpu.memref_squeeze %dma_wait3A_78 : memref<1x1x125xi32, #tpu.memory_space<hbm>> -> memref<125xi32, #tpu.memory_space<hbm>>
        %dma_wait3A_80 = tpu.memref_slice %arg11[%rem3A_47] : memref<4x!tpu.dma_semaphore, #tpu.memory_space<semaphore_mem>> -> memref<1x!tpu.dma_semaphore, #tpu.memory_space<semaphore_mem>>
        %dma_wait3A_81 = tpu.memref_squeeze %dma_wait3A_80 : memref<1x!tpu.dma_semaphore, #tpu.memory_space<semaphore_mem>> -> memref<!tpu.dma_semaphore, #tpu.memory_space<semaphore_mem>>
        %dma_wait3A_82 = arith.constant 0 : i32
        %dma_wait3A_83 = tpu.memref_slice %arg7[%rem3A_47, %dma_wait3A_82] : memref<4x125xi32, #tpu.memory_space<vmem>> -> memref<1x125xi32, #tpu.memory_space<vmem>>
        %dma_wait3A_84 = tpu.memref_squeeze %dma_wait3A_83 : memref<1x125xi32, #tpu.memory_space<vmem>> -> memref<125xi32, #tpu.memory_space<vmem>>
        %dma_wait3A_85 = arith.constant 0 : i32
        %dma_wait3A_86 = tpu.memref_slice %arg3[%add3A, %dma_wait3A, %dma_wait3A_85] : memref<32x80x125xi32, #tpu.memory_space<hbm>> -> memref<1x1x125xi32, #tpu.memory_space<hbm>>
        %dma_wait3A_87 = tpu.memref_squeeze %dma_wait3A_86 : memref<1x1x125xi32, #tpu.memory_space<hbm>> -> memref<125xi32, #tpu.memory_space<hbm>>
        tpu.wait_dma2 semaphore(%dma_wait3A_81 : memref<!tpu.dma_semaphore, #tpu.memory_space<semaphore_mem>>) src(%dma_wait3A_87 : memref<125xi32, #tpu.memory_space<hbm>>) dst(%dma_wait3A_84 : memref<125xi32, #tpu.memory_space<vmem>>)
        %dma_start3A_88 = arith.constant 0 : i32
        %dma_start3A_89 = arith.constant 0 : i32
        %dma_start3A_90 = tpu.memref_slice %arg9[%rem3A_49, %dma_start3A_88, %dma_start3A_89] : memref<2x125x128xf32, #tpu.memory_space<vmem>> -> memref<1x125x128xf32, #tpu.memory_space<vmem>>
        %dma_start3A_91 = tpu.memref_squeeze %dma_start3A_90 : memref<1x125x128xf32, #tpu.memory_space<vmem>> -> memref<125x128xf32, #tpu.memory_space<vmem>>
        %dma_start3A_92 = arith.constant 0 : i32
        %dma_start3A_93 = tpu.memref_slice %arg7[%rem3A_47, %dma_start3A_92] : memref<4x125xi32, #tpu.memory_space<vmem>> -> memref<1x125xi32, #tpu.memory_space<vmem>>
        %dma_start3A_94 = tpu.memref_squeeze %dma_start3A_93 : memref<1x125xi32, #tpu.memory_space<vmem>> -> memref<125xi32, #tpu.memory_space<vmem>>
        %dma_start3A_95 = arith.constant 0 : i32
        %dma_start3A_96 = arith.constant 0 : i32
        %dma_start3A_97 = tpu.memref_slice %arg2[%dma_start3A_95, %dma_start3A_96] : memref<10000x128xf32, #tpu.memory_space<hbm>> -> memref<10000x128xf32, #tpu.memory_space<hbm>>
        %dma_start3A_98 = tpu.memref_slice %arg13[%rem3A_49] : memref<2x!tpu.dma_semaphore, #tpu.memory_space<semaphore_mem>> -> memref<1x!tpu.dma_semaphore, #tpu.memory_space<semaphore_mem>>
        %dma_start3A_99 = tpu.memref_squeeze %dma_start3A_98 : memref<1x!tpu.dma_semaphore, #tpu.memory_space<semaphore_mem>> -> memref<!tpu.dma_semaphore, #tpu.memory_space<semaphore_mem>>
        tpu.enqueue_indirect_dma source(%dma_start3A_97 : memref<10000x128xf32, #tpu.memory_space<hbm>>) target(%dma_start3A_91 : memref<125x128xf32, #tpu.memory_space<vmem>>) offsets(%dma_start3A_94 : memref<125xi32, #tpu.memory_space<vmem>>) semaphore(%dma_start3A_99 : memref<!tpu.dma_semaphore, #tpu.memory_space<semaphore_mem>>)
      } else {
      }
      %ge3A_61 = arith.constant 1 : i32
      %ge3A_62 = arith.cmpi sge, %scan3A_46, %ge3A_61 : i32
      %le3A = arith.constant 80 : i32
      %le3A_63 = arith.cmpi sle, %scan3A_46, %le3A : i32
      %and3A = arith.andi %ge3A_62, %le3A_63 : i1
      %convert_element_type3A_64 = arith.extui %and3A : i1 to i32
      %cond3A_65 = arith.constant 0 : i32
      %cond3A_66 = arith.cmpi ne, %convert_element_type3A_64, %cond3A_65 : i32
      scf.if %cond3A_66 {
        %dma_wait3A = arith.constant 0 : i32
        %dma_wait3A_67 = arith.constant 0 : i32
        %dma_wait3A_68 = tpu.memref_slice %arg9[%sub3A_54, %dma_wait3A, %dma_wait3A_67] : memref<2x125x128xf32, #tpu.memory_space<vmem>> -> memref<1x125x128xf32, #tpu.memory_space<vmem>>
        %dma_wait3A_69 = tpu.memref_squeeze %dma_wait3A_68 : memref<1x125x128xf32, #tpu.memory_space<vmem>> -> memref<125x128xf32, #tpu.memory_space<vmem>>
        %dma_wait3A_70 = arith.constant 0 : i32
        %dma_wait3A_71 = tpu.memref_slice %arg7[%rem3A_53, %dma_wait3A_70] : memref<4x125xi32, #tpu.memory_space<vmem>> -> memref<1x125xi32, #tpu.memory_space<vmem>>
        %dma_wait3A_72 = tpu.memref_squeeze %dma_wait3A_71 : memref<1x125xi32, #tpu.memory_space<vmem>> -> memref<125xi32, #tpu.memory_space<vmem>>
        %dma_wait3A_73 = arith.constant 0 : i32
        %dma_wait3A_74 = arith.constant 0 : i32
        %dma_wait3A_75 = tpu.memref_slice %arg2[%dma_wait3A_73, %dma_wait3A_74] : memref<10000x128xf32, #tpu.memory_space<hbm>> -> memref<10000x128xf32, #tpu.memory_space<hbm>>
        %dma_wait3A_76 = tpu.memref_slice %arg13[%sub3A_54] : memref<2x!tpu.dma_semaphore, #tpu.memory_space<semaphore_mem>> -> memref<1x!tpu.dma_semaphore, #tpu.memory_space<semaphore_mem>>
        %dma_wait3A_77 = tpu.memref_squeeze %dma_wait3A_76 : memref<1x!tpu.dma_semaphore, #tpu.memory_space<semaphore_mem>> -> memref<!tpu.dma_semaphore, #tpu.memory_space<semaphore_mem>>
        tpu.wait_indirect_dma semaphore(%dma_wait3A_77 : memref<!tpu.dma_semaphore, #tpu.memory_space<semaphore_mem>>) src(%dma_wait3A_75 : memref<10000x128xf32, #tpu.memory_space<hbm>>) dst(%dma_wait3A_69 : memref<125x128xf32, #tpu.memory_space<vmem>>)
        %dma_wait3A_78 = arith.constant 0 : i32
        %dma_wait3A_79 = arith.constant 0 : i32
        %dma_wait3A_80 = tpu.memref_slice %arg8[%rem3A_53, %dma_wait3A_79] : memref<4x125xi32, #tpu.memory_space<vmem>> -> memref<1x125xi32, #tpu.memory_space<vmem>>
        %dma_wait3A_81 = tpu.memref_squeeze %dma_wait3A_80 : memref<1x125xi32, #tpu.memory_space<vmem>> -> memref<125xi32, #tpu.memory_space<vmem>>
        %dma_wait3A_82 = arith.constant 0 : i32
        %dma_wait3A_83 = tpu.memref_slice %arg4[%add3A, %dma_wait3A_78, %dma_wait3A_82] : memref<32x80x125xi32, #tpu.memory_space<hbm>> -> memref<1x1x125xi32, #tpu.memory_space<hbm>>
        %dma_wait3A_84 = tpu.memref_squeeze %dma_wait3A_83 : memref<1x1x125xi32, #tpu.memory_space<hbm>> -> memref<125xi32, #tpu.memory_space<hbm>>
        %dma_wait3A_85 = tpu.memref_slice %arg12[%rem3A_53] : memref<4x!tpu.dma_semaphore, #tpu.memory_space<semaphore_mem>> -> memref<1x!tpu.dma_semaphore, #tpu.memory_space<semaphore_mem>>
        %dma_wait3A_86 = tpu.memref_squeeze %dma_wait3A_85 : memref<1x!tpu.dma_semaphore, #tpu.memory_space<semaphore_mem>> -> memref<!tpu.dma_semaphore, #tpu.memory_space<semaphore_mem>>
        %dma_wait3A_87 = arith.constant 0 : i32
        %dma_wait3A_88 = tpu.memref_slice %arg8[%rem3A_53, %dma_wait3A_87] : memref<4x125xi32, #tpu.memory_space<vmem>> -> memref<1x125xi32, #tpu.memory_space<vmem>>
        %dma_wait3A_89 = tpu.memref_squeeze %dma_wait3A_88 : memref<1x125xi32, #tpu.memory_space<vmem>> -> memref<125xi32, #tpu.memory_space<vmem>>
        %dma_wait3A_90 = arith.constant 0 : i32
        %dma_wait3A_91 = tpu.memref_slice %arg4[%add3A, %dma_wait3A_78, %dma_wait3A_90] : memref<32x80x125xi32, #tpu.memory_space<hbm>> -> memref<1x1x125xi32, #tpu.memory_space<hbm>>
        %dma_wait3A_92 = tpu.memref_squeeze %dma_wait3A_91 : memref<1x1x125xi32, #tpu.memory_space<hbm>> -> memref<125xi32, #tpu.memory_space<hbm>>
        tpu.wait_dma2 semaphore(%dma_wait3A_86 : memref<!tpu.dma_semaphore, #tpu.memory_space<semaphore_mem>>) src(%dma_wait3A_92 : memref<125xi32, #tpu.memory_space<hbm>>) dst(%dma_wait3A_89 : memref<125xi32, #tpu.memory_space<vmem>>)
        %dma_start3A_93 = arith.constant 0 : i32
        %dma_start3A_94 = arith.constant 0 : i32
        %dma_start3A_95 = tpu.memref_slice %arg9[%sub3A_54, %dma_start3A_93, %dma_start3A_94] : memref<2x125x128xf32, #tpu.memory_space<vmem>> -> memref<1x125x128xf32, #tpu.memory_space<vmem>>
        %dma_start3A_96 = tpu.memref_squeeze %dma_start3A_95 : memref<1x125x128xf32, #tpu.memory_space<vmem>> -> memref<125x128xf32, #tpu.memory_space<vmem>>
        %dma_start3A_97 = arith.constant 0 : i32
        %dma_start3A_98 = tpu.memref_slice %arg8[%rem3A_53, %dma_start3A_97] : memref<4x125xi32, #tpu.memory_space<vmem>> -> memref<1x125xi32, #tpu.memory_space<vmem>>
        %dma_start3A_99 = tpu.memref_squeeze %dma_start3A_98 : memref<1x125xi32, #tpu.memory_space<vmem>> -> memref<125xi32, #tpu.memory_space<vmem>>
        %dma_start3A_100 = arith.constant 0 : i32
        %dma_start3A_101 = arith.constant 0 : i32
        %dma_start3A_102 = tpu.memref_slice %arg10[%dma_start3A_100, %dma_start3A_101] : memref<10016x128xf32, #tpu.memory_space<vmem_shared>> -> memref<10016x128xf32, #tpu.memory_space<vmem_shared>>
        %dma_start3A_103 = tpu.memref_slice %arg14[%sub3A_54] : memref<2x!tpu.dma_semaphore, #tpu.memory_space<semaphore_mem>> -> memref<1x!tpu.dma_semaphore, #tpu.memory_space<semaphore_mem>>
        %dma_start3A_104 = tpu.memref_squeeze %dma_start3A_103 : memref<1x!tpu.dma_semaphore, #tpu.memory_space<semaphore_mem>> -> memref<!tpu.dma_semaphore, #tpu.memory_space<semaphore_mem>>
        tpu.enqueue_indirect_dma source(%dma_start3A_96 : memref<125x128xf32, #tpu.memory_space<vmem>>) target(%dma_start3A_102 : memref<10016x128xf32, #tpu.memory_space<vmem_shared>>) offsets(%dma_start3A_99 : memref<125xi32, #tpu.memory_space<vmem>>) semaphore(%dma_start3A_104 : memref<!tpu.dma_semaphore, #tpu.memory_space<semaphore_mem>>) {add = true}
      } else {
      }
    }
    %scan3A_40 = arith.constant 82 : i32
    %barrier3A_41 = arith.constant 0 : index
    tpu.barrier barrier_id(%barrier3A_41)
    %mul3A_42 = arith.constant 626 : i32
    %mul3A_43 = arith.muli %arg1, %mul3A_42 : i32
    %mul3A_44 = arith.constant 626 : i32
    %mul3A_45 = arith.muli %arg1, %mul3A_44 : i32
    "tpu.region"() ({
      %run_scoped3A = tpu.sem_alloc : memref<!tpu.dma_semaphore, #tpu.memory_space<semaphore_mem>>
      %dma_start3A_46 = arith.constant 0 : i32
      %dma_start3A_47 = tpu.memref_slice %arg6[%arg0, %mul3A_45, %dma_start3A_46] : memref<2x10016x128xf32, #tpu.memory_space<hbm>> -> memref<1x626x128xf32, #tpu.memory_space<hbm>>
      %dma_start3A_48 = tpu.memref_squeeze %dma_start3A_47 : memref<1x626x128xf32, #tpu.memory_space<hbm>> -> memref<626x128xf32, #tpu.memory_space<hbm>>
      %dma_start3A_49 = arith.constant 0 : i32
      %dma_start3A_50 = tpu.memref_slice %arg10[%mul3A_43, %dma_start3A_49] : memref<10016x128xf32, #tpu.memory_space<vmem_shared>> -> memref<626x128xf32, #tpu.memory_space<vmem_shared>>
      tpu.enqueue_dma source(%dma_start3A_50 : memref<626x128xf32, #tpu.memory_space<vmem_shared>>) target(%dma_start3A_48 : memref<626x128xf32, #tpu.memory_space<hbm>>) target_semaphore(%run_scoped3A : memref<!tpu.dma_semaphore, #tpu.memory_space<semaphore_mem>>)
      %dma_wait3A = arith.constant 0 : i32
      %dma_wait3A_51 = tpu.memref_slice %arg6[%arg0, %mul3A_45, %dma_wait3A] : memref<2x10016x128xf32, #tpu.memory_space<hbm>> -> memref<1x626x128xf32, #tpu.memory_space<hbm>>
      %dma_wait3A_52 = tpu.memref_squeeze %dma_wait3A_51 : memref<1x626x128xf32, #tpu.memory_space<hbm>> -> memref<626x128xf32, #tpu.memory_space<hbm>>
      %dma_wait3A_53 = arith.constant 0 : i32
      %dma_wait3A_54 = tpu.memref_slice %arg10[%mul3A_43, %dma_wait3A_53] : memref<10016x128xf32, #tpu.memory_space<vmem_shared>> -> memref<626x128xf32, #tpu.memory_space<vmem_shared>>
      tpu.wait_dma2 semaphore(%run_scoped3A : memref<!tpu.dma_semaphore, #tpu.memory_space<semaphore_mem>>) src(%dma_wait3A_54 : memref<626x128xf32, #tpu.memory_space<vmem_shared>>) dst(%dma_wait3A_52 : memref<626x128xf32, #tpu.memory_space<hbm>>)
      tpu.yield
    }) : () -> ()
    return
  }
}

#map = affine_map<(d0, d1) -> (0, 0)>
#map1 = affine_map<(d0, d1) -> (0, 0, 0)>
module attributes {stable_mosaic.version = 14 : i64} {
  func.func @seg_sum(%arg0: i32, %arg1: i32, %arg2: memref<10000x128xf32, #tpu.memory_space<hbm>>, %arg3: memref<32x80x125xi32, #tpu.memory_space<hbm>>, %arg4: memref<32x80x125xi32, #tpu.memory_space<hbm>>, %arg5: memref<626x128xf32, #tpu.memory_space<hbm>>, %arg6: memref<125x16xf32, #tpu.memory_space<hbm>>, %arg7: memref<626x16xf32, #tpu.memory_space<hbm>>, %arg8: memref<2x10016x128xf32, #tpu.memory_space<hbm>>, %arg9: memref<2x10016x16xf32, #tpu.memory_space<hbm>>, %arg10: memref<4x125xi32, #tpu.memory_space<vmem>>, %arg11: memref<4x125xi32, #tpu.memory_space<vmem>>, %arg12: memref<2x125x128xf32, #tpu.memory_space<vmem>>, %arg13: memref<10016x128xf32, #tpu.memory_space<vmem_shared>>, %arg14: memref<4x!tpu.dma_semaphore, #tpu.memory_space<semaphore_mem>>, %arg15: memref<4x!tpu.dma_semaphore, #tpu.memory_space<semaphore_mem>>, %arg16: memref<2x!tpu.dma_semaphore, #tpu.memory_space<semaphore_mem>>, %arg17: memref<2x!tpu.dma_semaphore, #tpu.memory_space<semaphore_mem>>, %arg18: memref<125x16xf32, #tpu.memory_space<vmem>>, %arg19: memref<10016x16xf32, #tpu.memory_space<vmem_shared>>, %arg20: memref<2x!tpu.dma_semaphore, #tpu.memory_space<semaphore_mem>>) attributes {dimension_semantics = [#tpu.dimension_semantics<core_parallel>, #tpu.dimension_semantics<subcore_parallel>], iteration_bounds = array<i64: 2, 16>, scalar_prefetch = 0 : i64, scratch_operands = 11 : i64, tpu.core_type = #tpu.core_type<sc_vector_subcore>, window_params = [{transform_indices = #map}, {transform_indices = #map1}, {transform_indices = #map1}, {transform_indices = #map}, {transform_indices = #map}, {transform_indices = #map}, {transform_indices = #map1}, {transform_indices = #map1}]} {
    %mul3A = arith.constant 16 : i32
    %mul3A_0 = arith.muli %arg0, %mul3A : i32
    %add3A = arith.addi %mul3A_0, %arg1 : i32
    %dma_start3A = arith.constant 0 : i32
    %dma_start3A_1 = arith.constant 0 : i32
    %dma_start3A_2 = arith.constant 0 : i32
    %dma_start3A_3 = arith.constant 0 : i32
    %dma_start3A_4 = tpu.memref_slice %arg10[%dma_start3A_1, %dma_start3A_3] : memref<4x125xi32, #tpu.memory_space<vmem>> -> memref<1x125xi32, #tpu.memory_space<vmem>>
    %dma_start3A_5 = tpu.memref_squeeze %dma_start3A_4 : memref<1x125xi32, #tpu.memory_space<vmem>> -> memref<125xi32, #tpu.memory_space<vmem>>
    %dma_start3A_6 = arith.constant 0 : i32
    %dma_start3A_7 = tpu.memref_slice %arg3[%add3A, %dma_start3A, %dma_start3A_6] : memref<32x80x125xi32, #tpu.memory_space<hbm>> -> memref<1x1x125xi32, #tpu.memory_space<hbm>>
    %dma_start3A_8 = tpu.memref_squeeze %dma_start3A_7 : memref<1x1x125xi32, #tpu.memory_space<hbm>> -> memref<125xi32, #tpu.memory_space<hbm>>
    %dma_start3A_9 = tpu.memref_slice %arg14[%dma_start3A_2] : memref<4x!tpu.dma_semaphore, #tpu.memory_space<semaphore_mem>> -> memref<1x!tpu.dma_semaphore, #tpu.memory_space<semaphore_mem>>
    %dma_start3A_10 = tpu.memref_squeeze %dma_start3A_9 : memref<1x!tpu.dma_semaphore, #tpu.memory_space<semaphore_mem>> -> memref<!tpu.dma_semaphore, #tpu.memory_space<semaphore_mem>>
    %dma_start3A_11 = arith.constant 0 : i32
    %dma_start3A_12 = tpu.memref_slice %arg10[%dma_start3A_1, %dma_start3A_11] : memref<4x125xi32, #tpu.memory_space<vmem>> -> memref<1x125xi32, #tpu.memory_space<vmem>>
    %dma_start3A_13 = tpu.memref_squeeze %dma_start3A_12 : memref<1x125xi32, #tpu.memory_space<vmem>> -> memref<125xi32, #tpu.memory_space<vmem>>
    %dma_start3A_14 = arith.constant 0 : i32
    %dma_start3A_15 = tpu.memref_slice %arg3[%add3A, %dma_start3A, %dma_start3A_14] : memref<32x80x125xi32, #tpu.memory_space<hbm>> -> memref<1x1x125xi32, #tpu.memory_space<hbm>>
    %dma_start3A_16 = tpu.memref_squeeze %dma_start3A_15 : memref<1x1x125xi32, #tpu.memory_space<hbm>> -> memref<125xi32, #tpu.memory_space<hbm>>
    tpu.enqueue_dma source(%dma_start3A_16 : memref<125xi32, #tpu.memory_space<hbm>>) target(%dma_start3A_13 : memref<125xi32, #tpu.memory_space<vmem>>) target_semaphore(%dma_start3A_10 : memref<!tpu.dma_semaphore, #tpu.memory_space<semaphore_mem>>)
    %dma_start3A_17 = arith.constant 0 : i32
    %dma_start3A_18 = arith.constant 0 : i32
    %dma_start3A_19 = arith.constant 0 : i32
    %dma_start3A_20 = arith.constant 0 : i32
    %dma_start3A_21 = tpu.memref_slice %arg11[%dma_start3A_18, %dma_start3A_20] : memref<4x125xi32, #tpu.memory_space<vmem>> -> memref<1x125xi32, #tpu.memory_space<vmem>>
    %dma_start3A_22 = tpu.memref_squeeze %dma_start3A_21 : memref<1x125xi32, #tpu.memory_space<vmem>> -> memref<125xi32, #tpu.memory_space<vmem>>
    %dma_start3A_23 = arith.constant 0 : i32
    %dma_start3A_24 = tpu.memref_slice %arg4[%add3A, %dma_start3A_17, %dma_start3A_23] : memref<32x80x125xi32, #tpu.memory_space<hbm>> -> memref<1x1x125xi32, #tpu.memory_space<hbm>>
    %dma_start3A_25 = tpu.memref_squeeze %dma_start3A_24 : memref<1x1x125xi32, #tpu.memory_space<hbm>> -> memref<125xi32, #tpu.memory_space<hbm>>
    %dma_start3A_26 = tpu.memref_slice %arg15[%dma_start3A_19] : memref<4x!tpu.dma_semaphore, #tpu.memory_space<semaphore_mem>> -> memref<1x!tpu.dma_semaphore, #tpu.memory_space<semaphore_mem>>
    %dma_start3A_27 = tpu.memref_squeeze %dma_start3A_26 : memref<1x!tpu.dma_semaphore, #tpu.memory_space<semaphore_mem>> -> memref<!tpu.dma_semaphore, #tpu.memory_space<semaphore_mem>>
    %dma_start3A_28 = arith.constant 0 : i32
    %dma_start3A_29 = tpu.memref_slice %arg11[%dma_start3A_18, %dma_start3A_28] : memref<4x125xi32, #tpu.memory_space<vmem>> -> memref<1x125xi32, #tpu.memory_space<vmem>>
    %dma_start3A_30 = tpu.memref_squeeze %dma_start3A_29 : memref<1x125xi32, #tpu.memory_space<vmem>> -> memref<125xi32, #tpu.memory_space<vmem>>
    %dma_start3A_31 = arith.constant 0 : i32
    %dma_start3A_32 = tpu.memref_slice %arg4[%add3A, %dma_start3A_17, %dma_start3A_31] : memref<32x80x125xi32, #tpu.memory_space<hbm>> -> memref<1x1x125xi32, #tpu.memory_space<hbm>>
    %dma_start3A_33 = tpu.memref_squeeze %dma_start3A_32 : memref<1x1x125xi32, #tpu.memory_space<hbm>> -> memref<125xi32, #tpu.memory_space<hbm>>
    tpu.enqueue_dma source(%dma_start3A_33 : memref<125xi32, #tpu.memory_space<hbm>>) target(%dma_start3A_30 : memref<125xi32, #tpu.memory_space<vmem>>) target_semaphore(%dma_start3A_27 : memref<!tpu.dma_semaphore, #tpu.memory_space<semaphore_mem>>)
    %mul3A_34 = arith.constant 626 : i32
    %mul3A_35 = arith.muli %arg1, %mul3A_34 : i32
    "tpu.region"() ({
      %run_scoped3A = tpu.sem_alloc : memref<!tpu.dma_semaphore, #tpu.memory_space<semaphore_mem>>
      %dma_start3A_52 = arith.constant 0 : i32
      %dma_start3A_53 = tpu.memref_slice %arg13[%mul3A_35, %dma_start3A_52] : memref<10016x128xf32, #tpu.memory_space<vmem_shared>> -> memref<626x128xf32, #tpu.memory_space<vmem_shared>>
      tpu.enqueue_dma source(%arg5 : memref<626x128xf32, #tpu.memory_space<hbm>>) target(%dma_start3A_53 : memref<626x128xf32, #tpu.memory_space<vmem_shared>>) target_semaphore(%run_scoped3A : memref<!tpu.dma_semaphore, #tpu.memory_space<semaphore_mem>>)
      %dma_wait3A = arith.constant 0 : i32
      %dma_wait3A_54 = tpu.memref_slice %arg13[%mul3A_35, %dma_wait3A] : memref<10016x128xf32, #tpu.memory_space<vmem_shared>> -> memref<626x128xf32, #tpu.memory_space<vmem_shared>>
      tpu.wait_dma2 semaphore(%run_scoped3A : memref<!tpu.dma_semaphore, #tpu.memory_space<semaphore_mem>>) src(%arg5 : memref<626x128xf32, #tpu.memory_space<hbm>>) dst(%dma_wait3A_54 : memref<626x128xf32, #tpu.memory_space<vmem_shared>>)
      tpu.yield
    }) : () -> ()
    "tpu.region"() ({
      %run_scoped3A = tpu.sem_alloc : memref<!tpu.dma_semaphore, #tpu.memory_space<semaphore_mem>>
      tpu.enqueue_dma source(%arg6 : memref<125x16xf32, #tpu.memory_space<hbm>>) target(%arg18 : memref<125x16xf32, #tpu.memory_space<vmem>>) target_semaphore(%run_scoped3A : memref<!tpu.dma_semaphore, #tpu.memory_space<semaphore_mem>>)
      tpu.wait_dma2 semaphore(%run_scoped3A : memref<!tpu.dma_semaphore, #tpu.memory_space<semaphore_mem>>) src(%arg6 : memref<125x16xf32, #tpu.memory_space<hbm>>) dst(%arg18 : memref<125x16xf32, #tpu.memory_space<vmem>>)
      tpu.yield
    }) : () -> ()
    %mul3A_36 = arith.constant 626 : i32
    %mul3A_37 = arith.muli %arg1, %mul3A_36 : i32
    "tpu.region"() ({
      %run_scoped3A = tpu.sem_alloc : memref<!tpu.dma_semaphore, #tpu.memory_space<semaphore_mem>>
      %dma_start3A_52 = arith.constant 0 : i32
      %dma_start3A_53 = tpu.memref_slice %arg19[%mul3A_37, %dma_start3A_52] : memref<10016x16xf32, #tpu.memory_space<vmem_shared>> -> memref<626x16xf32, #tpu.memory_space<vmem_shared>>
      tpu.enqueue_dma source(%arg7 : memref<626x16xf32, #tpu.memory_space<hbm>>) target(%dma_start3A_53 : memref<626x16xf32, #tpu.memory_space<vmem_shared>>) target_semaphore(%run_scoped3A : memref<!tpu.dma_semaphore, #tpu.memory_space<semaphore_mem>>)
      %dma_wait3A = arith.constant 0 : i32
      %dma_wait3A_54 = tpu.memref_slice %arg19[%mul3A_37, %dma_wait3A] : memref<10016x16xf32, #tpu.memory_space<vmem_shared>> -> memref<626x16xf32, #tpu.memory_space<vmem_shared>>
      tpu.wait_dma2 semaphore(%run_scoped3A : memref<!tpu.dma_semaphore, #tpu.memory_space<semaphore_mem>>) src(%arg7 : memref<626x16xf32, #tpu.memory_space<hbm>>) dst(%dma_wait3A_54 : memref<626x16xf32, #tpu.memory_space<vmem_shared>>)
      tpu.yield
    }) : () -> ()
    %barrier3A = arith.constant 0 : index
    tpu.barrier barrier_id(%barrier3A)
    %scan3A = arith.constant 0 : i32
    %scan3A_38 = arith.constant 0 : i32
    %scan3A_39 = arith.constant 82 : i32
    %scan3A_40 = arith.addi %scan3A_38, %scan3A_39 : i32
    %scan3A_41 = arith.constant 1 : i32
    scf.for %scan3A_52 = %scan3A_38 to %scan3A_40 step %scan3A_41  : i32 {
      %rem3A = arith.constant 4 : i32
      %rem3A_53 = arith.remsi %scan3A_52, %rem3A : i32
      %rem3A_54 = arith.constant 2 : i32
      %rem3A_55 = arith.remsi %scan3A_52, %rem3A_54 : i32
      %add3A_56 = arith.constant 3 : i32
      %add3A_57 = arith.addi %scan3A_52, %add3A_56 : i32
      %rem3A_58 = arith.constant 4 : i32
      %rem3A_59 = arith.remsi %add3A_57, %rem3A_58 : i32
      %sub3A = arith.constant 1 : i32
      %sub3A_60 = arith.subi %sub3A, %rem3A_55 : i32
      %ge3A = arith.constant 2 : i32
      %ge3A_61 = arith.cmpi sge, %scan3A_52, %ge3A : i32
      %convert_element_type3A = arith.extui %ge3A_61 : i1 to i32
      %cond3A = arith.constant 0 : i32
      %cond3A_62 = arith.cmpi ne, %convert_element_type3A, %cond3A : i32
      scf.if %cond3A_62 {
        %add3A_73 = arith.constant 2 : i32
        %add3A_74 = arith.addi %scan3A_52, %add3A_73 : i32
        %rem3A_75 = arith.constant 4 : i32
        %rem3A_76 = arith.remsi %add3A_74, %rem3A_75 : i32
        %dma_wait3A = arith.constant 0 : i32
        %dma_wait3A_77 = arith.constant 0 : i32
        %dma_wait3A_78 = tpu.memref_slice %arg12[%rem3A_55, %dma_wait3A, %dma_wait3A_77] : memref<2x125x128xf32, #tpu.memory_space<vmem>> -> memref<1x125x128xf32, #tpu.memory_space<vmem>>
        %dma_wait3A_79 = tpu.memref_squeeze %dma_wait3A_78 : memref<1x125x128xf32, #tpu.memory_space<vmem>> -> memref<125x128xf32, #tpu.memory_space<vmem>>
        %dma_wait3A_80 = arith.constant 0 : i32
        %dma_wait3A_81 = tpu.memref_slice %arg11[%rem3A_76, %dma_wait3A_80] : memref<4x125xi32, #tpu.memory_space<vmem>> -> memref<1x125xi32, #tpu.memory_space<vmem>>
        %dma_wait3A_82 = tpu.memref_squeeze %dma_wait3A_81 : memref<1x125xi32, #tpu.memory_space<vmem>> -> memref<125xi32, #tpu.memory_space<vmem>>
        %dma_wait3A_83 = arith.constant 0 : i32
        %dma_wait3A_84 = arith.constant 0 : i32
        %dma_wait3A_85 = tpu.memref_slice %arg13[%dma_wait3A_83, %dma_wait3A_84] : memref<10016x128xf32, #tpu.memory_space<vmem_shared>> -> memref<10016x128xf32, #tpu.memory_space<vmem_shared>>
        %dma_wait3A_86 = tpu.memref_slice %arg17[%rem3A_55] : memref<2x!tpu.dma_semaphore, #tpu.memory_space<semaphore_mem>> -> memref<1x!tpu.dma_semaphore, #tpu.memory_space<semaphore_mem>>
        %dma_wait3A_87 = tpu.memref_squeeze %dma_wait3A_86 : memref<1x!tpu.dma_semaphore, #tpu.memory_space<semaphore_mem>> -> memref<!tpu.dma_semaphore, #tpu.memory_space<semaphore_mem>>
        tpu.wait_indirect_dma semaphore(%dma_wait3A_87 : memref<!tpu.dma_semaphore, #tpu.memory_space<semaphore_mem>>) src(%dma_wait3A_79 : memref<125x128xf32, #tpu.memory_space<vmem>>) dst(%dma_wait3A_85 : memref<10016x128xf32, #tpu.memory_space<vmem_shared>>)
        %dma_wait3A_88 = arith.constant 0 : i32
        %dma_wait3A_89 = tpu.memref_slice %arg11[%rem3A_76, %dma_wait3A_88] : memref<4x125xi32, #tpu.memory_space<vmem>> -> memref<1x125xi32, #tpu.memory_space<vmem>>
        %dma_wait3A_90 = tpu.memref_squeeze %dma_wait3A_89 : memref<1x125xi32, #tpu.memory_space<vmem>> -> memref<125xi32, #tpu.memory_space<vmem>>
        %dma_wait3A_91 = arith.constant 0 : i32
        %dma_wait3A_92 = arith.constant 0 : i32
        %dma_wait3A_93 = tpu.memref_slice %arg19[%dma_wait3A_91, %dma_wait3A_92] : memref<10016x16xf32, #tpu.memory_space<vmem_shared>> -> memref<10016x16xf32, #tpu.memory_space<vmem_shared>>
        %dma_wait3A_94 = tpu.memref_slice %arg20[%rem3A_55] : memref<2x!tpu.dma_semaphore, #tpu.memory_space<semaphore_mem>> -> memref<1x!tpu.dma_semaphore, #tpu.memory_space<semaphore_mem>>
        %dma_wait3A_95 = tpu.memref_squeeze %dma_wait3A_94 : memref<1x!tpu.dma_semaphore, #tpu.memory_space<semaphore_mem>> -> memref<!tpu.dma_semaphore, #tpu.memory_space<semaphore_mem>>
        tpu.wait_indirect_dma semaphore(%dma_wait3A_95 : memref<!tpu.dma_semaphore, #tpu.memory_space<semaphore_mem>>) src(%arg18 : memref<125x16xf32, #tpu.memory_space<vmem>>) dst(%dma_wait3A_93 : memref<10016x16xf32, #tpu.memory_space<vmem_shared>>)
      } else {
      }
      %lt3A = arith.constant 80 : i32
      %lt3A_63 = arith.cmpi slt, %scan3A_52, %lt3A : i32
      %convert_element_type3A_64 = arith.extui %lt3A_63 : i1 to i32
      %cond3A_65 = arith.constant 0 : i32
      %cond3A_66 = arith.cmpi ne, %convert_element_type3A_64, %cond3A_65 : i32
      scf.if %cond3A_66 {
        %add3A_73 = arith.constant 1 : i32
        %add3A_74 = arith.addi %scan3A_52, %add3A_73 : i32
        %lt3A_75 = arith.constant 80 : i32
        %lt3A_76 = arith.cmpi slt, %add3A_74, %lt3A_75 : i32
        %convert_element_type3A_77 = arith.extui %lt3A_76 : i1 to i32
        %cond3A_78 = arith.constant 0 : i32
        %cond3A_79 = arith.cmpi ne, %convert_element_type3A_77, %cond3A_78 : i32
        scf.if %cond3A_79 {
          %add3A_106 = arith.constant 1 : i32
          %add3A_107 = arith.addi %scan3A_52, %add3A_106 : i32
          %rem3A_108 = arith.constant 4 : i32
          %rem3A_109 = arith.remsi %add3A_107, %rem3A_108 : i32
          %add3A_110 = arith.constant 1 : i32
          %add3A_111 = arith.addi %scan3A_52, %add3A_110 : i32
          %dma_start3A_112 = arith.constant 0 : i32
          %dma_start3A_113 = tpu.memref_slice %arg10[%rem3A_109, %dma_start3A_112] : memref<4x125xi32, #tpu.memory_space<vmem>> -> memref<1x125xi32, #tpu.memory_space<vmem>>
          %dma_start3A_114 = tpu.memref_squeeze %dma_start3A_113 : memref<1x125xi32, #tpu.memory_space<vmem>> -> memref<125xi32, #tpu.memory_space<vmem>>
          %dma_start3A_115 = arith.constant 0 : i32
          %dma_start3A_116 = tpu.memref_slice %arg3[%add3A, %add3A_111, %dma_start3A_115] : memref<32x80x125xi32, #tpu.memory_space<hbm>> -> memref<1x1x125xi32, #tpu.memory_space<hbm>>
          %dma_start3A_117 = tpu.memref_squeeze %dma_start3A_116 : memref<1x1x125xi32, #tpu.memory_space<hbm>> -> memref<125xi32, #tpu.memory_space<hbm>>
          %dma_start3A_118 = tpu.memref_slice %arg14[%rem3A_109] : memref<4x!tpu.dma_semaphore, #tpu.memory_space<semaphore_mem>> -> memref<1x!tpu.dma_semaphore, #tpu.memory_space<semaphore_mem>>
          %dma_start3A_119 = tpu.memref_squeeze %dma_start3A_118 : memref<1x!tpu.dma_semaphore, #tpu.memory_space<semaphore_mem>> -> memref<!tpu.dma_semaphore, #tpu.memory_space<semaphore_mem>>
          %dma_start3A_120 = arith.constant 0 : i32
          %dma_start3A_121 = tpu.memref_slice %arg10[%rem3A_109, %dma_start3A_120] : memref<4x125xi32, #tpu.memory_space<vmem>> -> memref<1x125xi32, #tpu.memory_space<vmem>>
          %dma_start3A_122 = tpu.memref_squeeze %dma_start3A_121 : memref<1x125xi32, #tpu.memory_space<vmem>> -> memref<125xi32, #tpu.memory_space<vmem>>
          %dma_start3A_123 = arith.constant 0 : i32
          %dma_start3A_124 = tpu.memref_slice %arg3[%add3A, %add3A_111, %dma_start3A_123] : memref<32x80x125xi32, #tpu.memory_space<hbm>> -> memref<1x1x125xi32, #tpu.memory_space<hbm>>
          %dma_start3A_125 = tpu.memref_squeeze %dma_start3A_124 : memref<1x1x125xi32, #tpu.memory_space<hbm>> -> memref<125xi32, #tpu.memory_space<hbm>>
          tpu.enqueue_dma source(%dma_start3A_125 : memref<125xi32, #tpu.memory_space<hbm>>) target(%dma_start3A_122 : memref<125xi32, #tpu.memory_space<vmem>>) target_semaphore(%dma_start3A_119 : memref<!tpu.dma_semaphore, #tpu.memory_space<semaphore_mem>>)
          %add3A_126 = arith.constant 1 : i32
          %add3A_127 = arith.addi %scan3A_52, %add3A_126 : i32
          %dma_start3A_128 = arith.constant 0 : i32
          %dma_start3A_129 = tpu.memref_slice %arg11[%rem3A_109, %dma_start3A_128] : memref<4x125xi32, #tpu.memory_space<vmem>> -> memref<1x125xi32, #tpu.memory_space<vmem>>
          %dma_start3A_130 = tpu.memref_squeeze %dma_start3A_129 : memref<1x125xi32, #tpu.memory_space<vmem>> -> memref<125xi32, #tpu.memory_space<vmem>>
          %dma_start3A_131 = arith.constant 0 : i32
          %dma_start3A_132 = tpu.memref_slice %arg4[%add3A, %add3A_127, %dma_start3A_131] : memref<32x80x125xi32, #tpu.memory_space<hbm>> -> memref<1x1x125xi32, #tpu.memory_space<hbm>>
          %dma_start3A_133 = tpu.memref_squeeze %dma_start3A_132 : memref<1x1x125xi32, #tpu.memory_space<hbm>> -> memref<125xi32, #tpu.memory_space<hbm>>
          %dma_start3A_134 = tpu.memref_slice %arg15[%rem3A_109] : memref<4x!tpu.dma_semaphore, #tpu.memory_space<semaphore_mem>> -> memref<1x!tpu.dma_semaphore, #tpu.memory_space<semaphore_mem>>
          %dma_start3A_135 = tpu.memref_squeeze %dma_start3A_134 : memref<1x!tpu.dma_semaphore, #tpu.memory_space<semaphore_mem>> -> memref<!tpu.dma_semaphore, #tpu.memory_space<semaphore_mem>>
          %dma_start3A_136 = arith.constant 0 : i32
          %dma_start3A_137 = tpu.memref_slice %arg11[%rem3A_109, %dma_start3A_136] : memref<4x125xi32, #tpu.memory_space<vmem>> -> memref<1x125xi32, #tpu.memory_space<vmem>>
          %dma_start3A_138 = tpu.memref_squeeze %dma_start3A_137 : memref<1x125xi32, #tpu.memory_space<vmem>> -> memref<125xi32, #tpu.memory_space<vmem>>
          %dma_start3A_139 = arith.constant 0 : i32
          %dma_start3A_140 = tpu.memref_slice %arg4[%add3A, %add3A_127, %dma_start3A_139] : memref<32x80x125xi32, #tpu.memory_space<hbm>> -> memref<1x1x125xi32, #tpu.memory_space<hbm>>
          %dma_start3A_141 = tpu.memref_squeeze %dma_start3A_140 : memref<1x1x125xi32, #tpu.memory_space<hbm>> -> memref<125xi32, #tpu.memory_space<hbm>>
          tpu.enqueue_dma source(%dma_start3A_141 : memref<125xi32, #tpu.memory_space<hbm>>) target(%dma_start3A_138 : memref<125xi32, #tpu.memory_space<vmem>>) target_semaphore(%dma_start3A_135 : memref<!tpu.dma_semaphore, #tpu.memory_space<semaphore_mem>>)
        } else {
        }
        %dma_wait3A = arith.constant 0 : i32
        %dma_wait3A_80 = arith.constant 0 : i32
        %dma_wait3A_81 = tpu.memref_slice %arg10[%rem3A_53, %dma_wait3A_80] : memref<4x125xi32, #tpu.memory_space<vmem>> -> memref<1x125xi32, #tpu.memory_space<vmem>>
        %dma_wait3A_82 = tpu.memref_squeeze %dma_wait3A_81 : memref<1x125xi32, #tpu.memory_space<vmem>> -> memref<125xi32, #tpu.memory_space<vmem>>
        %dma_wait3A_83 = arith.constant 0 : i32
        %dma_wait3A_84 = tpu.memref_slice %arg3[%add3A, %dma_wait3A, %dma_wait3A_83] : memref<32x80x125xi32, #tpu.memory_space<hbm>> -> memref<1x1x125xi32, #tpu.memory_space<hbm>>
        %dma_wait3A_85 = tpu.memref_squeeze %dma_wait3A_84 : memref<1x1x125xi32, #tpu.memory_space<hbm>> -> memref<125xi32, #tpu.memory_space<hbm>>
        %dma_wait3A_86 = tpu.memref_slice %arg14[%rem3A_53] : memref<4x!tpu.dma_semaphore, #tpu.memory_space<semaphore_mem>> -> memref<1x!tpu.dma_semaphore, #tpu.memory_space<semaphore_mem>>
        %dma_wait3A_87 = tpu.memref_squeeze %dma_wait3A_86 : memref<1x!tpu.dma_semaphore, #tpu.memory_space<semaphore_mem>> -> memref<!tpu.dma_semaphore, #tpu.memory_space<semaphore_mem>>
        %dma_wait3A_88 = arith.constant 0 : i32
        %dma_wait3A_89 = tpu.memref_slice %arg10[%rem3A_53, %dma_wait3A_88] : memref<4x125xi32, #tpu.memory_space<vmem>> -> memref<1x125xi32, #tpu.memory_space<vmem>>
        %dma_wait3A_90 = tpu.memref_squeeze %dma_wait3A_89 : memref<1x125xi32, #tpu.memory_space<vmem>> -> memref<125xi32, #tpu.memory_space<vmem>>
        %dma_wait3A_91 = arith.constant 0 : i32
        %dma_wait3A_92 = tpu.memref_slice %arg3[%add3A, %dma_wait3A, %dma_wait3A_91] : memref<32x80x125xi32, #tpu.memory_space<hbm>> -> memref<1x1x125xi32, #tpu.memory_space<hbm>>
        %dma_wait3A_93 = tpu.memref_squeeze %dma_wait3A_92 : memref<1x1x125xi32, #tpu.memory_space<hbm>> -> memref<125xi32, #tpu.memory_space<hbm>>
        tpu.wait_dma2 semaphore(%dma_wait3A_87 : memref<!tpu.dma_semaphore, #tpu.memory_space<semaphore_mem>>) src(%dma_wait3A_93 : memref<125xi32, #tpu.memory_space<hbm>>) dst(%dma_wait3A_90 : memref<125xi32, #tpu.memory_space<vmem>>)
        %dma_start3A_94 = arith.constant 0 : i32
        %dma_start3A_95 = arith.constant 0 : i32
        %dma_start3A_96 = tpu.memref_slice %arg12[%rem3A_55, %dma_start3A_94, %dma_start3A_95] : memref<2x125x128xf32, #tpu.memory_space<vmem>> -> memref<1x125x128xf32, #tpu.memory_space<vmem>>
        %dma_start3A_97 = tpu.memref_squeeze %dma_start3A_96 : memref<1x125x128xf32, #tpu.memory_space<vmem>> -> memref<125x128xf32, #tpu.memory_space<vmem>>
        %dma_start3A_98 = arith.constant 0 : i32
        %dma_start3A_99 = tpu.memref_slice %arg10[%rem3A_53, %dma_start3A_98] : memref<4x125xi32, #tpu.memory_space<vmem>> -> memref<1x125xi32, #tpu.memory_space<vmem>>
        %dma_start3A_100 = tpu.memref_squeeze %dma_start3A_99 : memref<1x125xi32, #tpu.memory_space<vmem>> -> memref<125xi32, #tpu.memory_space<vmem>>
        %dma_start3A_101 = arith.constant 0 : i32
        %dma_start3A_102 = arith.constant 0 : i32
        %dma_start3A_103 = tpu.memref_slice %arg2[%dma_start3A_101, %dma_start3A_102] : memref<10000x128xf32, #tpu.memory_space<hbm>> -> memref<10000x128xf32, #tpu.memory_space<hbm>>
        %dma_start3A_104 = tpu.memref_slice %arg16[%rem3A_55] : memref<2x!tpu.dma_semaphore, #tpu.memory_space<semaphore_mem>> -> memref<1x!tpu.dma_semaphore, #tpu.memory_space<semaphore_mem>>
        %dma_start3A_105 = tpu.memref_squeeze %dma_start3A_104 : memref<1x!tpu.dma_semaphore, #tpu.memory_space<semaphore_mem>> -> memref<!tpu.dma_semaphore, #tpu.memory_space<semaphore_mem>>
        tpu.enqueue_indirect_dma source(%dma_start3A_103 : memref<10000x128xf32, #tpu.memory_space<hbm>>) target(%dma_start3A_97 : memref<125x128xf32, #tpu.memory_space<vmem>>) offsets(%dma_start3A_100 : memref<125xi32, #tpu.memory_space<vmem>>) semaphore(%dma_start3A_105 : memref<!tpu.dma_semaphore, #tpu.memory_space<semaphore_mem>>)
      } else {
      }
      %ge3A_67 = arith.constant 1 : i32
      %ge3A_68 = arith.cmpi sge, %scan3A_52, %ge3A_67 : i32
      %le3A = arith.constant 80 : i32
      %le3A_69 = arith.cmpi sle, %scan3A_52, %le3A : i32
      %and3A = arith.andi %ge3A_68, %le3A_69 : i1
      %convert_element_type3A_70 = arith.extui %and3A : i1 to i32
      %cond3A_71 = arith.constant 0 : i32
      %cond3A_72 = arith.cmpi ne, %convert_element_type3A_70, %cond3A_71 : i32
      scf.if %cond3A_72 {
        %dma_wait3A = arith.constant 0 : i32
        %dma_wait3A_73 = arith.constant 0 : i32
        %dma_wait3A_74 = tpu.memref_slice %arg12[%sub3A_60, %dma_wait3A, %dma_wait3A_73] : memref<2x125x128xf32, #tpu.memory_space<vmem>> -> memref<1x125x128xf32, #tpu.memory_space<vmem>>
        %dma_wait3A_75 = tpu.memref_squeeze %dma_wait3A_74 : memref<1x125x128xf32, #tpu.memory_space<vmem>> -> memref<125x128xf32, #tpu.memory_space<vmem>>
        %dma_wait3A_76 = arith.constant 0 : i32
        %dma_wait3A_77 = tpu.memref_slice %arg10[%rem3A_59, %dma_wait3A_76] : memref<4x125xi32, #tpu.memory_space<vmem>> -> memref<1x125xi32, #tpu.memory_space<vmem>>
        %dma_wait3A_78 = tpu.memref_squeeze %dma_wait3A_77 : memref<1x125xi32, #tpu.memory_space<vmem>> -> memref<125xi32, #tpu.memory_space<vmem>>
        %dma_wait3A_79 = arith.constant 0 : i32
        %dma_wait3A_80 = arith.constant 0 : i32
        %dma_wait3A_81 = tpu.memref_slice %arg2[%dma_wait3A_79, %dma_wait3A_80] : memref<10000x128xf32, #tpu.memory_space<hbm>> -> memref<10000x128xf32, #tpu.memory_space<hbm>>
        %dma_wait3A_82 = tpu.memref_slice %arg16[%sub3A_60] : memref<2x!tpu.dma_semaphore, #tpu.memory_space<semaphore_mem>> -> memref<1x!tpu.dma_semaphore, #tpu.memory_space<semaphore_mem>>
        %dma_wait3A_83 = tpu.memref_squeeze %dma_wait3A_82 : memref<1x!tpu.dma_semaphore, #tpu.memory_space<semaphore_mem>> -> memref<!tpu.dma_semaphore, #tpu.memory_space<semaphore_mem>>
        tpu.wait_indirect_dma semaphore(%dma_wait3A_83 : memref<!tpu.dma_semaphore, #tpu.memory_space<semaphore_mem>>) src(%dma_wait3A_81 : memref<10000x128xf32, #tpu.memory_space<hbm>>) dst(%dma_wait3A_75 : memref<125x128xf32, #tpu.memory_space<vmem>>)
        %dma_wait3A_84 = arith.constant 0 : i32
        %dma_wait3A_85 = arith.constant 0 : i32
        %dma_wait3A_86 = tpu.memref_slice %arg11[%rem3A_59, %dma_wait3A_85] : memref<4x125xi32, #tpu.memory_space<vmem>> -> memref<1x125xi32, #tpu.memory_space<vmem>>
        %dma_wait3A_87 = tpu.memref_squeeze %dma_wait3A_86 : memref<1x125xi32, #tpu.memory_space<vmem>> -> memref<125xi32, #tpu.memory_space<vmem>>
        %dma_wait3A_88 = arith.constant 0 : i32
        %dma_wait3A_89 = tpu.memref_slice %arg4[%add3A, %dma_wait3A_84, %dma_wait3A_88] : memref<32x80x125xi32, #tpu.memory_space<hbm>> -> memref<1x1x125xi32, #tpu.memory_space<hbm>>
        %dma_wait3A_90 = tpu.memref_squeeze %dma_wait3A_89 : memref<1x1x125xi32, #tpu.memory_space<hbm>> -> memref<125xi32, #tpu.memory_space<hbm>>
        %dma_wait3A_91 = tpu.memref_slice %arg15[%rem3A_59] : memref<4x!tpu.dma_semaphore, #tpu.memory_space<semaphore_mem>> -> memref<1x!tpu.dma_semaphore, #tpu.memory_space<semaphore_mem>>
        %dma_wait3A_92 = tpu.memref_squeeze %dma_wait3A_91 : memref<1x!tpu.dma_semaphore, #tpu.memory_space<semaphore_mem>> -> memref<!tpu.dma_semaphore, #tpu.memory_space<semaphore_mem>>
        %dma_wait3A_93 = arith.constant 0 : i32
        %dma_wait3A_94 = tpu.memref_slice %arg11[%rem3A_59, %dma_wait3A_93] : memref<4x125xi32, #tpu.memory_space<vmem>> -> memref<1x125xi32, #tpu.memory_space<vmem>>
        %dma_wait3A_95 = tpu.memref_squeeze %dma_wait3A_94 : memref<1x125xi32, #tpu.memory_space<vmem>> -> memref<125xi32, #tpu.memory_space<vmem>>
        %dma_wait3A_96 = arith.constant 0 : i32
        %dma_wait3A_97 = tpu.memref_slice %arg4[%add3A, %dma_wait3A_84, %dma_wait3A_96] : memref<32x80x125xi32, #tpu.memory_space<hbm>> -> memref<1x1x125xi32, #tpu.memory_space<hbm>>
        %dma_wait3A_98 = tpu.memref_squeeze %dma_wait3A_97 : memref<1x1x125xi32, #tpu.memory_space<hbm>> -> memref<125xi32, #tpu.memory_space<hbm>>
        tpu.wait_dma2 semaphore(%dma_wait3A_92 : memref<!tpu.dma_semaphore, #tpu.memory_space<semaphore_mem>>) src(%dma_wait3A_98 : memref<125xi32, #tpu.memory_space<hbm>>) dst(%dma_wait3A_95 : memref<125xi32, #tpu.memory_space<vmem>>)
        %dma_start3A_99 = arith.constant 0 : i32
        %dma_start3A_100 = arith.constant 0 : i32
        %dma_start3A_101 = tpu.memref_slice %arg12[%sub3A_60, %dma_start3A_99, %dma_start3A_100] : memref<2x125x128xf32, #tpu.memory_space<vmem>> -> memref<1x125x128xf32, #tpu.memory_space<vmem>>
        %dma_start3A_102 = tpu.memref_squeeze %dma_start3A_101 : memref<1x125x128xf32, #tpu.memory_space<vmem>> -> memref<125x128xf32, #tpu.memory_space<vmem>>
        %dma_start3A_103 = arith.constant 0 : i32
        %dma_start3A_104 = tpu.memref_slice %arg11[%rem3A_59, %dma_start3A_103] : memref<4x125xi32, #tpu.memory_space<vmem>> -> memref<1x125xi32, #tpu.memory_space<vmem>>
        %dma_start3A_105 = tpu.memref_squeeze %dma_start3A_104 : memref<1x125xi32, #tpu.memory_space<vmem>> -> memref<125xi32, #tpu.memory_space<vmem>>
        %dma_start3A_106 = arith.constant 0 : i32
        %dma_start3A_107 = arith.constant 0 : i32
        %dma_start3A_108 = tpu.memref_slice %arg13[%dma_start3A_106, %dma_start3A_107] : memref<10016x128xf32, #tpu.memory_space<vmem_shared>> -> memref<10016x128xf32, #tpu.memory_space<vmem_shared>>
        %dma_start3A_109 = tpu.memref_slice %arg17[%sub3A_60] : memref<2x!tpu.dma_semaphore, #tpu.memory_space<semaphore_mem>> -> memref<1x!tpu.dma_semaphore, #tpu.memory_space<semaphore_mem>>
        %dma_start3A_110 = tpu.memref_squeeze %dma_start3A_109 : memref<1x!tpu.dma_semaphore, #tpu.memory_space<semaphore_mem>> -> memref<!tpu.dma_semaphore, #tpu.memory_space<semaphore_mem>>
        tpu.enqueue_indirect_dma source(%dma_start3A_102 : memref<125x128xf32, #tpu.memory_space<vmem>>) target(%dma_start3A_108 : memref<10016x128xf32, #tpu.memory_space<vmem_shared>>) offsets(%dma_start3A_105 : memref<125xi32, #tpu.memory_space<vmem>>) semaphore(%dma_start3A_110 : memref<!tpu.dma_semaphore, #tpu.memory_space<semaphore_mem>>) {add = true}
        %dma_start3A_111 = arith.constant 0 : i32
        %dma_start3A_112 = tpu.memref_slice %arg11[%rem3A_59, %dma_start3A_111] : memref<4x125xi32, #tpu.memory_space<vmem>> -> memref<1x125xi32, #tpu.memory_space<vmem>>
        %dma_start3A_113 = tpu.memref_squeeze %dma_start3A_112 : memref<1x125xi32, #tpu.memory_space<vmem>> -> memref<125xi32, #tpu.memory_space<vmem>>
        %dma_start3A_114 = arith.constant 0 : i32
        %dma_start3A_115 = arith.constant 0 : i32
        %dma_start3A_116 = tpu.memref_slice %arg19[%dma_start3A_114, %dma_start3A_115] : memref<10016x16xf32, #tpu.memory_space<vmem_shared>> -> memref<10016x16xf32, #tpu.memory_space<vmem_shared>>
        %dma_start3A_117 = tpu.memref_slice %arg20[%sub3A_60] : memref<2x!tpu.dma_semaphore, #tpu.memory_space<semaphore_mem>> -> memref<1x!tpu.dma_semaphore, #tpu.memory_space<semaphore_mem>>
        %dma_start3A_118 = tpu.memref_squeeze %dma_start3A_117 : memref<1x!tpu.dma_semaphore, #tpu.memory_space<semaphore_mem>> -> memref<!tpu.dma_semaphore, #tpu.memory_space<semaphore_mem>>
        tpu.enqueue_indirect_dma source(%arg18 : memref<125x16xf32, #tpu.memory_space<vmem>>) target(%dma_start3A_116 : memref<10016x16xf32, #tpu.memory_space<vmem_shared>>) offsets(%dma_start3A_113 : memref<125xi32, #tpu.memory_space<vmem>>) semaphore(%dma_start3A_118 : memref<!tpu.dma_semaphore, #tpu.memory_space<semaphore_mem>>) {add = true}
      } else {
      }
    }
    %scan3A_42 = arith.constant 82 : i32
    %barrier3A_43 = arith.constant 0 : index
    tpu.barrier barrier_id(%barrier3A_43)
    %mul3A_44 = arith.constant 626 : i32
    %mul3A_45 = arith.muli %arg1, %mul3A_44 : i32
    %mul3A_46 = arith.constant 626 : i32
    %mul3A_47 = arith.muli %arg1, %mul3A_46 : i32
    "tpu.region"() ({
      %run_scoped3A = tpu.sem_alloc : memref<!tpu.dma_semaphore, #tpu.memory_space<semaphore_mem>>
      %dma_start3A_52 = arith.constant 0 : i32
      %dma_start3A_53 = tpu.memref_slice %arg8[%arg0, %mul3A_47, %dma_start3A_52] : memref<2x10016x128xf32, #tpu.memory_space<hbm>> -> memref<1x626x128xf32, #tpu.memory_space<hbm>>
      %dma_start3A_54 = tpu.memref_squeeze %dma_start3A_53 : memref<1x626x128xf32, #tpu.memory_space<hbm>> -> memref<626x128xf32, #tpu.memory_space<hbm>>
      %dma_start3A_55 = arith.constant 0 : i32
      %dma_start3A_56 = tpu.memref_slice %arg13[%mul3A_45, %dma_start3A_55] : memref<10016x128xf32, #tpu.memory_space<vmem_shared>> -> memref<626x128xf32, #tpu.memory_space<vmem_shared>>
      tpu.enqueue_dma source(%dma_start3A_56 : memref<626x128xf32, #tpu.memory_space<vmem_shared>>) target(%dma_start3A_54 : memref<626x128xf32, #tpu.memory_space<hbm>>) target_semaphore(%run_scoped3A : memref<!tpu.dma_semaphore, #tpu.memory_space<semaphore_mem>>)
      %dma_wait3A = arith.constant 0 : i32
      %dma_wait3A_57 = tpu.memref_slice %arg8[%arg0, %mul3A_47, %dma_wait3A] : memref<2x10016x128xf32, #tpu.memory_space<hbm>> -> memref<1x626x128xf32, #tpu.memory_space<hbm>>
      %dma_wait3A_58 = tpu.memref_squeeze %dma_wait3A_57 : memref<1x626x128xf32, #tpu.memory_space<hbm>> -> memref<626x128xf32, #tpu.memory_space<hbm>>
      %dma_wait3A_59 = arith.constant 0 : i32
      %dma_wait3A_60 = tpu.memref_slice %arg13[%mul3A_45, %dma_wait3A_59] : memref<10016x128xf32, #tpu.memory_space<vmem_shared>> -> memref<626x128xf32, #tpu.memory_space<vmem_shared>>
      tpu.wait_dma2 semaphore(%run_scoped3A : memref<!tpu.dma_semaphore, #tpu.memory_space<semaphore_mem>>) src(%dma_wait3A_60 : memref<626x128xf32, #tpu.memory_space<vmem_shared>>) dst(%dma_wait3A_58 : memref<626x128xf32, #tpu.memory_space<hbm>>)
      tpu.yield
    }) : () -> ()
    %mul3A_48 = arith.constant 626 : i32
    %mul3A_49 = arith.muli %arg1, %mul3A_48 : i32
    %mul3A_50 = arith.constant 626 : i32
    %mul3A_51 = arith.muli %arg1, %mul3A_50 : i32
    "tpu.region"() ({
      %run_scoped3A = tpu.sem_alloc : memref<!tpu.dma_semaphore, #tpu.memory_space<semaphore_mem>>
      %dma_start3A_52 = arith.constant 0 : i32
      %dma_start3A_53 = tpu.memref_slice %arg9[%arg0, %mul3A_51, %dma_start3A_52] : memref<2x10016x16xf32, #tpu.memory_space<hbm>> -> memref<1x626x16xf32, #tpu.memory_space<hbm>>
      %dma_start3A_54 = tpu.memref_squeeze %dma_start3A_53 : memref<1x626x16xf32, #tpu.memory_space<hbm>> -> memref<626x16xf32, #tpu.memory_space<hbm>>
      %dma_start3A_55 = arith.constant 0 : i32
      %dma_start3A_56 = tpu.memref_slice %arg19[%mul3A_49, %dma_start3A_55] : memref<10016x16xf32, #tpu.memory_space<vmem_shared>> -> memref<626x16xf32, #tpu.memory_space<vmem_shared>>
      tpu.enqueue_dma source(%dma_start3A_56 : memref<626x16xf32, #tpu.memory_space<vmem_shared>>) target(%dma_start3A_54 : memref<626x16xf32, #tpu.memory_space<hbm>>) target_semaphore(%run_scoped3A : memref<!tpu.dma_semaphore, #tpu.memory_space<semaphore_mem>>)
      %dma_wait3A = arith.constant 0 : i32
      %dma_wait3A_57 = tpu.memref_slice %arg9[%arg0, %mul3A_51, %dma_wait3A] : memref<2x10016x16xf32, #tpu.memory_space<hbm>> -> memref<1x626x16xf32, #tpu.memory_space<hbm>>
      %dma_wait3A_58 = tpu.memref_squeeze %dma_wait3A_57 : memref<1x626x16xf32, #tpu.memory_space<hbm>> -> memref<626x16xf32, #tpu.memory_space<hbm>>
      %dma_wait3A_59 = arith.constant 0 : i32
      %dma_wait3A_60 = tpu.memref_slice %arg19[%mul3A_49, %dma_wait3A_59] : memref<10016x16xf32, #tpu.memory_space<vmem_shared>> -> memref<626x16xf32, #tpu.memory_space<vmem_shared>>
      tpu.wait_dma2 semaphore(%run_scoped3A : memref<!tpu.dma_semaphore, #tpu.memory_space<semaphore_mem>>) src(%dma_wait3A_60 : memref<626x16xf32, #tpu.memory_space<vmem_shared>>) dst(%dma_wait3A_58 : memref<626x16xf32, #tpu.memory_space<hbm>>)
      tpu.yield
    }) : () -> ()
    return
  }
}

module attributes {stable_mosaic.version = 14 : i64} {
  func.func @_stage_a_body(%arg0: i32, %arg1: memref<2000x128xf32, #tpu.memory_space<vmem>>, %arg2: memref<128x128xf32, #tpu.memory_space<vmem>>, %arg3: memref<128x128xf32, #tpu.memory_space<vmem>>, %arg4: memref<1x128xf32, #tpu.memory_space<vmem>>, %arg5: memref<2000x128xf32, #tpu.memory_space<vmem>>, %arg6: memref<2000x128xf32, #tpu.memory_space<vmem>>) attributes {dimension_semantics = [#tpu.dimension_semantics<arbitrary>], iteration_bounds = array<i64: 5>, scalar_prefetch = 0 : i64, scratch_operands = 0 : i64, tpu.core_type = #tpu.core_type<tc>, window_params = [{transform_indices = @transform_0, window_bounds = array<i64: 2000, 128>}, {pipeline_mode = #tpu.pipeline_mode<synchronous>, transform_indices = @transform_1, window_bounds = array<i64: 128, 128>}, {pipeline_mode = #tpu.pipeline_mode<synchronous>, transform_indices = @transform_2, window_bounds = array<i64: 128, 128>}, {pipeline_mode = #tpu.pipeline_mode<synchronous>, transform_indices = @transform_3, window_bounds = array<i64: 1, 128>}, {transform_indices = @transform_4, window_bounds = array<i64: 2000, 128>}, {transform_indices = @transform_5, window_bounds = array<i64: 2000, 128>}]} {
    %get3A = arith.constant 0 : index
    %get3A_0 = arith.constant 0 : index
    %get3A_1 = vector.load %arg1[%get3A, %get3A_0] : memref<2000x128xf32, #tpu.memory_space<vmem>>, vector<2000x128xf32>
    %get3A_2 = arith.constant 0 : index
    %get3A_3 = arith.constant 0 : index
    %get3A_4 = vector.load %arg2[%get3A_2, %get3A_3] : memref<128x128xf32, #tpu.memory_space<vmem>>, vector<128x128xf32>
    %dot_general3A = arith.constant dense<0.000000e+00> : vector<2000x128xf32>
    %dot_general3A_5 = tpu.matmul %get3A_1, %get3A_4, %dot_general3A {dimension_numbers = #tpu.dot_dimension_numbers<[1], [0], [0], [1], [0, 0, 1, 1], [], []>, transpose_lhs_hint = false} : vector<2000x128xf32>, vector<128x128xf32>, vector<2000x128xf32> -> vector<2000x128xf32>
    %swap3A = arith.constant 0 : index
    %swap3A_6 = arith.constant 0 : index
    %swap3A_7 = vector.load %arg5[%swap3A, %swap3A_6] : memref<2000x128xf32, #tpu.memory_space<vmem>>, vector<2000x128xf32>
    tpu.vector_store %arg5[%swap3A, %swap3A_6], %dot_general3A_5 {strides = array<i32>} : memref<2000x128xf32, #tpu.memory_space<vmem>>, vector<2000x128xf32>,
    %get3A_8 = arith.constant 0 : index
    %get3A_9 = arith.constant 0 : index
    %get3A_10 = vector.load %arg3[%get3A_8, %get3A_9] : memref<128x128xf32, #tpu.memory_space<vmem>>, vector<128x128xf32>
    %dot_general3A_11 = arith.constant dense<0.000000e+00> : vector<2000x128xf32>
    %dot_general3A_12 = tpu.matmul %get3A_1, %get3A_10, %dot_general3A_11 {dimension_numbers = #tpu.dot_dimension_numbers<[1], [0], [0], [1], [0, 0, 1, 1], [], []>, transpose_lhs_hint = false} : vector<2000x128xf32>, vector<128x128xf32>, vector<2000x128xf32> -> vector<2000x128xf32>
    %get3A_13 = arith.constant 0 : index
    %get3A_14 = arith.constant 0 : index
    %get3A_15 = vector.load %arg4[%get3A_13, %get3A_14] : memref<1x128xf32, #tpu.memory_space<vmem>>, vector<1x128xf32>
    %add3A = vector.broadcast %get3A_15 : vector<1x128xf32> to vector<2000x128xf32>
    %add3A_16 = arith.addf %dot_general3A_12, %add3A : vector<2000x128xf32>
    %swap3A_17 = arith.constant 0 : index
    %swap3A_18 = arith.constant 0 : index
    %swap3A_19 = vector.load %arg6[%swap3A_17, %swap3A_18] : memref<2000x128xf32, #tpu.memory_space<vmem>>, vector<2000x128xf32>
    tpu.vector_store %arg6[%swap3A_17, %swap3A_18], %add3A_16 {strides = array<i32>} : memref<2000x128xf32, #tpu.memory_space<vmem>>, vector<2000x128xf32>,
    return
  }
  func.func @transform_0(%arg0: i32) -> (i32, i32) {
    %c0_i32 = arith.constant 0 : i32
    %c0_i32_0 = arith.constant 0 : i32
    return %arg0, %c0_i32 : i32, i32
  }
  func.func @transform_1(%arg0: i32) -> (i32, i32) {
    %c0_i32 = arith.constant 0 : i32
    %c0_i32_0 = arith.constant 0 : i32
    %c0_i32_1 = arith.constant 0 : i32
    return %c0_i32, %c0_i32_0 : i32, i32
  }
  func.func @transform_2(%arg0: i32) -> (i32, i32) {
    %c0_i32 = arith.constant 0 : i32
    %c0_i32_0 = arith.constant 0 : i32
    %c0_i32_1 = arith.constant 0 : i32
    return %c0_i32, %c0_i32_0 : i32, i32
  }
  func.func @transform_3(%arg0: i32) -> (i32, i32) {
    %c0_i32 = arith.constant 0 : i32
    %c0_i32_0 = arith.constant 0 : i32
    %c0_i32_1 = arith.constant 0 : i32
    return %c0_i32, %c0_i32_0 : i32, i32
  }
  func.func @transform_4(%arg0: i32) -> (i32, i32) {
    %c0_i32 = arith.constant 0 : i32
    %c0_i32_0 = arith.constant 0 : i32
    return %arg0, %c0_i32 : i32, i32
  }
  func.func @transform_5(%arg0: i32) -> (i32, i32) {
    %c0_i32 = arith.constant 0 : i32
    %c0_i32_0 = arith.constant 0 : i32
    return %arg0, %c0_i32 : i32, i32
  }
}

module attributes {stable_mosaic.version = 14 : i64} {
  func.func @_stage_b2_body(%arg0: i32, %arg1: memref<1x2000x128xf32, #tpu.memory_space<vmem>>, %arg2: memref<1x2000x128xf32, #tpu.memory_space<vmem>>, %arg3: memref<1x2000x16xf32, #tpu.memory_space<vmem>>, %arg4: memref<1x2000x16xf32, #tpu.memory_space<vmem>>, %arg5: memref<2000x128xf32, #tpu.memory_space<vmem>>, %arg6: memref<128x128xf32, #tpu.memory_space<vmem>>, %arg7: memref<128x128xf32, #tpu.memory_space<vmem>>, %arg8: memref<1x128xf32, #tpu.memory_space<vmem>>, %arg9: memref<2000x128xf32, #tpu.memory_space<vmem>>, %arg10: memref<2000x128xf32, #tpu.memory_space<vmem>>, %arg11: memref<2000x8xf32, #tpu.memory_space<vmem>>) attributes {dimension_semantics = [#tpu.dimension_semantics<arbitrary>], iteration_bounds = array<i64: 5>, scalar_prefetch = 0 : i64, scratch_operands = 0 : i64, tpu.core_type = #tpu.core_type<tc>, window_params = [{transform_indices = @transform_0, window_bounds = array<i64: 1, 2000, 128>}, {transform_indices = @transform_1, window_bounds = array<i64: 1, 2000, 128>}, {transform_indices = @transform_2, window_bounds = array<i64: 1, 2000, 16>}, {transform_indices = @transform_3, window_bounds = array<i64: 1, 2000, 16>}, {transform_indices = @transform_4, window_bounds = array<i64: 2000, 128>}, {pipeline_mode = #tpu.pipeline_mode<synchronous>, transform_indices = @transform_5, window_bounds = array<i64: 128, 128>}, {pipeline_mode = #tpu.pipeline_mode<synchronous>, transform_indices = @transform_6, window_bounds = array<i64: 128, 128>}, {pipeline_mode = #tpu.pipeline_mode<synchronous>, transform_indices = @transform_7, window_bounds = array<i64: 1, 128>}, {transform_indices = @transform_8, window_bounds = array<i64: 2000, 128>}, {transform_indices = @transform_9, window_bounds = array<i64: 2000, 128>}, {transform_indices = @transform_10, window_bounds = array<i64: 2000, 8>}]} {
    %get3A = arith.constant 0 : index
    %get3A_0 = arith.constant 0 : index
    %get3A_1 = arith.constant 0 : index
    %get3A_2 = vector.load %arg1[%get3A, %get3A_0, %get3A_1] : memref<1x2000x128xf32, #tpu.memory_space<vmem>>, vector<1x2000x128xf32>
    %get3A_3 = vector.shape_cast %get3A_2 : vector<1x2000x128xf32> to vector<2000x128xf32>
    %get3A_4 = arith.constant 0 : index
    %get3A_5 = arith.constant 0 : index
    %get3A_6 = arith.constant 0 : index
    %get3A_7 = vector.load %arg2[%get3A_4, %get3A_5, %get3A_6] : memref<1x2000x128xf32, #tpu.memory_space<vmem>>, vector<1x2000x128xf32>
    %get3A_8 = vector.shape_cast %get3A_7 : vector<1x2000x128xf32> to vector<2000x128xf32>
    %add3A = arith.addf %get3A_3, %get3A_8 : vector<2000x128xf32>
    %get3A_9 = arith.constant 0 : index
    %get3A_10 = arith.constant 0 : index
    %get3A_11 = arith.constant 0 : index
    %get3A_12 = vector.load %arg3[%get3A_9, %get3A_10, %get3A_11] : memref<1x2000x16xf32, #tpu.memory_space<vmem>>, vector<1x2000x1xf32>
    %get3A_13 = vector.shape_cast %get3A_12 : vector<1x2000x1xf32> to vector<2000x1xf32>
    %get3A_14 = arith.constant 0 : index
    %get3A_15 = arith.constant 0 : index
    %get3A_16 = arith.constant 0 : index
    %get3A_17 = vector.load %arg4[%get3A_14, %get3A_15, %get3A_16] : memref<1x2000x16xf32, #tpu.memory_space<vmem>>, vector<1x2000x1xf32>
    %get3A_18 = vector.shape_cast %get3A_17 : vector<1x2000x1xf32> to vector<2000x1xf32>
    %add3A_19 = arith.addf %get3A_13, %get3A_18 : vector<2000x1xf32>
    %max3A = arith.constant 1.000000e+00 : f32
    %max3A_20 = vector.broadcast %max3A : f32 to vector<2000x1xf32>
    %max3A_21 = arith.maximumf %add3A_19, %max3A_20 : vector<2000x1xf32>
    %div3A = arith.constant 1.000000e+00 : f32
    %div3A_22 = vector.broadcast %div3A : f32 to vector<2000x1xf32>
    %div3A_23 = arith.divf %div3A_22, %max3A_21 : vector<2000x1xf32>
    %mul3A = vector.broadcast %div3A_23 : vector<2000x1xf32> to vector<2000x128xf32>
    %mul3A_24 = arith.mulf %add3A, %mul3A : vector<2000x128xf32>
    %get3A_25 = arith.constant 0 : index
    %get3A_26 = arith.constant 0 : index
    %get3A_27 = vector.load %arg5[%get3A_25, %get3A_26] : memref<2000x128xf32, #tpu.memory_space<vmem>>, vector<2000x128xf32>
    %add3A_28 = arith.addf %mul3A_24, %get3A_27 : vector<2000x128xf32>
    %max3A_29 = arith.constant 0.000000e+00 : f32
    %max3A_30 = vector.broadcast %max3A_29 : f32 to vector<2000x128xf32>
    %max3A_31 = arith.maximumf %add3A_28, %max3A_30 : vector<2000x128xf32>
    %get3A_32 = arith.constant 0 : index
    %get3A_33 = arith.constant 0 : index
    %get3A_34 = vector.load %arg6[%get3A_32, %get3A_33] : memref<128x128xf32, #tpu.memory_space<vmem>>, vector<128x128xf32>
    %dot_general3A = arith.constant dense<0.000000e+00> : vector<2000x128xf32>
    %dot_general3A_35 = tpu.matmul %max3A_31, %get3A_34, %dot_general3A {dimension_numbers = #tpu.dot_dimension_numbers<[1], [0], [0], [1], [0, 0, 1, 1], [], []>, transpose_lhs_hint = false} : vector<2000x128xf32>, vector<128x128xf32>, vector<2000x128xf32> -> vector<2000x128xf32>
    %swap3A = arith.constant 0 : index
    %swap3A_36 = arith.constant 0 : index
    %swap3A_37 = vector.load %arg9[%swap3A, %swap3A_36] : memref<2000x128xf32, #tpu.memory_space<vmem>>, vector<2000x128xf32>
    tpu.vector_store %arg9[%swap3A, %swap3A_36], %dot_general3A_35 {strides = array<i32>} : memref<2000x128xf32, #tpu.memory_space<vmem>>, vector<2000x128xf32>,
    %get3A_38 = arith.constant 0 : index
    %get3A_39 = arith.constant 0 : index
    %get3A_40 = vector.load %arg7[%get3A_38, %get3A_39] : memref<128x128xf32, #tpu.memory_space<vmem>>, vector<128x128xf32>
    %dot_general3A_41 = arith.constant dense<0.000000e+00> : vector<2000x128xf32>
    %dot_general3A_42 = tpu.matmul %max3A_31, %get3A_40, %dot_general3A_41 {dimension_numbers = #tpu.dot_dimension_numbers<[1], [0], [0], [1], [0, 0, 1, 1], [], []>, transpose_lhs_hint = false} : vector<2000x128xf32>, vector<128x128xf32>, vector<2000x128xf32> -> vector<2000x128xf32>
    %get3A_43 = arith.constant 0 : index
    %get3A_44 = arith.constant 0 : index
    %get3A_45 = vector.load %arg8[%get3A_43, %get3A_44] : memref<1x128xf32, #tpu.memory_space<vmem>>, vector<1x128xf32>
    %add3A_46 = vector.broadcast %get3A_45 : vector<1x128xf32> to vector<2000x128xf32>
    %add3A_47 = arith.addf %dot_general3A_42, %add3A_46 : vector<2000x128xf32>
    %swap3A_48 = arith.constant 0 : index
    %swap3A_49 = arith.constant 0 : index
    %swap3A_50 = vector.load %arg10[%swap3A_48, %swap3A_49] : memref<2000x128xf32, #tpu.memory_space<vmem>>, vector<2000x128xf32>
    tpu.vector_store %arg10[%swap3A_48, %swap3A_49], %add3A_47 {strides = array<i32>} : memref<2000x128xf32, #tpu.memory_space<vmem>>, vector<2000x128xf32>,
    %broadcast_in_dim3A = vector.shape_cast %div3A_23 : vector<2000x1xf32> to vector<2000x1xf32>
    %broadcast_in_dim3A_51 = vector.broadcast %broadcast_in_dim3A : vector<2000x1xf32> to vector<2000x8xf32>
    %swap3A_52 = arith.constant 0 : index
    %swap3A_53 = arith.constant 0 : index
    %swap3A_54 = vector.load %arg11[%swap3A_52, %swap3A_53] : memref<2000x8xf32, #tpu.memory_space<vmem>>, vector<2000x8xf32>
    tpu.vector_store %arg11[%swap3A_52, %swap3A_53], %broadcast_in_dim3A_51 {strides = array<i32>} : memref<2000x8xf32, #tpu.memory_space<vmem>>, vector<2000x8xf32>,
    return
  }
  func.func @transform_0(%arg0: i32) -> (i32, i32, i32) {
    %c0_i32 = arith.constant 0 : i32
    %c0_i32_0 = arith.constant 0 : i32
    %c0_i32_1 = arith.constant 0 : i32
    return %c0_i32, %arg0, %c0_i32_0 : i32, i32, i32
  }
  func.func @transform_1(%arg0: i32) -> (i32, i32, i32) {
    %c1_i32 = arith.constant 1 : i32
    %c0_i32 = arith.constant 0 : i32
    %c0_i32_0 = arith.constant 0 : i32
    return %c1_i32, %arg0, %c0_i32 : i32, i32, i32
  }
  func.func @transform_2(%arg0: i32) -> (i32, i32, i32) {
    %c0_i32 = arith.constant 0 : i32
    %c0_i32_0 = arith.constant 0 : i32
    %c0_i32_1 = arith.constant 0 : i32
    return %c0_i32, %arg0, %c0_i32_0 : i32, i32, i32
  }
  func.func @transform_3(%arg0: i32) -> (i32, i32, i32) {
    %c1_i32 = arith.constant 1 : i32
    %c0_i32 = arith.constant 0 : i32
    %c0_i32_0 = arith.constant 0 : i32
    return %c1_i32, %arg0, %c0_i32 : i32, i32, i32
  }
  func.func @transform_4(%arg0: i32) -> (i32, i32) {
    %c0_i32 = arith.constant 0 : i32
    %c0_i32_0 = arith.constant 0 : i32
    return %arg0, %c0_i32 : i32, i32
  }
  func.func @transform_5(%arg0: i32) -> (i32, i32) {
    %c0_i32 = arith.constant 0 : i32
    %c0_i32_0 = arith.constant 0 : i32
    %c0_i32_1 = arith.constant 0 : i32
    return %c0_i32, %c0_i32_0 : i32, i32
  }
  func.func @transform_6(%arg0: i32) -> (i32, i32) {
    %c0_i32 = arith.constant 0 : i32
    %c0_i32_0 = arith.constant 0 : i32
    %c0_i32_1 = arith.constant 0 : i32
    return %c0_i32, %c0_i32_0 : i32, i32
  }
  func.func @transform_7(%arg0: i32) -> (i32, i32) {
    %c0_i32 = arith.constant 0 : i32
    %c0_i32_0 = arith.constant 0 : i32
    %c0_i32_1 = arith.constant 0 : i32
    return %c0_i32, %c0_i32_0 : i32, i32
  }
  func.func @transform_8(%arg0: i32) -> (i32, i32) {
    %c0_i32 = arith.constant 0 : i32
    %c0_i32_0 = arith.constant 0 : i32
    return %arg0, %c0_i32 : i32, i32
  }
  func.func @transform_9(%arg0: i32) -> (i32, i32) {
    %c0_i32 = arith.constant 0 : i32
    %c0_i32_0 = arith.constant 0 : i32
    return %arg0, %c0_i32 : i32, i32
  }
  func.func @transform_10(%arg0: i32) -> (i32, i32) {
    %c0_i32 = arith.constant 0 : i32
    %c0_i32_0 = arith.constant 0 : i32
    return %arg0, %c0_i32 : i32, i32
  }
}

module attributes {stable_mosaic.version = 14 : i64} {
  func.func @_stage_b3_body(%arg0: i32, %arg1: memref<1x2000x128xf32, #tpu.memory_space<vmem>>, %arg2: memref<1x2000x128xf32, #tpu.memory_space<vmem>>, %arg3: memref<2000x128xf32, #tpu.memory_space<vmem>>, %arg4: memref<2000x8xf32, #tpu.memory_space<vmem>>, %arg5: memref<128x64xf32, #tpu.memory_space<vmem>>, %arg6: memref<128x64xf32, #tpu.memory_space<vmem>>, %arg7: memref<1x64xf32, #tpu.memory_space<vmem>>, %arg8: memref<2000x64xf32, #tpu.memory_space<vmem>>, %arg9: memref<2000x64xf32, #tpu.memory_space<vmem>>) attributes {dimension_semantics = [#tpu.dimension_semantics<arbitrary>], iteration_bounds = array<i64: 5>, scalar_prefetch = 0 : i64, scratch_operands = 0 : i64, tpu.core_type = #tpu.core_type<tc>, window_params = [{transform_indices = @transform_0, window_bounds = array<i64: 1, 2000, 128>}, {transform_indices = @transform_1, window_bounds = array<i64: 1, 2000, 128>}, {transform_indices = @transform_2, window_bounds = array<i64: 2000, 128>}, {transform_indices = @transform_3, window_bounds = array<i64: 2000, 8>}, {pipeline_mode = #tpu.pipeline_mode<synchronous>, transform_indices = @transform_4, window_bounds = array<i64: 128, 64>}, {pipeline_mode = #tpu.pipeline_mode<synchronous>, transform_indices = @transform_5, window_bounds = array<i64: 128, 64>}, {pipeline_mode = #tpu.pipeline_mode<synchronous>, transform_indices = @transform_6, window_bounds = array<i64: 1, 64>}, {transform_indices = @transform_7, window_bounds = array<i64: 2000, 64>}, {transform_indices = @transform_8, window_bounds = array<i64: 2000, 64>}]} {
    %get3A = arith.constant 0 : index
    %get3A_0 = arith.constant 0 : index
    %get3A_1 = arith.constant 0 : index
    %get3A_2 = vector.load %arg1[%get3A, %get3A_0, %get3A_1] : memref<1x2000x128xf32, #tpu.memory_space<vmem>>, vector<1x2000x128xf32>
    %get3A_3 = vector.shape_cast %get3A_2 : vector<1x2000x128xf32> to vector<2000x128xf32>
    %get3A_4 = arith.constant 0 : index
    %get3A_5 = arith.constant 0 : index
    %get3A_6 = arith.constant 0 : index
    %get3A_7 = vector.load %arg2[%get3A_4, %get3A_5, %get3A_6] : memref<1x2000x128xf32, #tpu.memory_space<vmem>>, vector<1x2000x128xf32>
    %get3A_8 = vector.shape_cast %get3A_7 : vector<1x2000x128xf32> to vector<2000x128xf32>
    %add3A = arith.addf %get3A_3, %get3A_8 : vector<2000x128xf32>
    %get3A_9 = arith.constant 0 : index
    %get3A_10 = arith.constant 0 : index
    %get3A_11 = vector.load %arg4[%get3A_9, %get3A_10] : memref<2000x8xf32, #tpu.memory_space<vmem>>, vector<2000x1xf32>
    %mul3A = vector.broadcast %get3A_11 : vector<2000x1xf32> to vector<2000x128xf32>
    %mul3A_12 = arith.mulf %add3A, %mul3A : vector<2000x128xf32>
    %get3A_13 = arith.constant 0 : index
    %get3A_14 = arith.constant 0 : index
    %get3A_15 = vector.load %arg3[%get3A_13, %get3A_14] : memref<2000x128xf32, #tpu.memory_space<vmem>>, vector<2000x128xf32>
    %add3A_16 = arith.addf %mul3A_12, %get3A_15 : vector<2000x128xf32>
    %max3A = arith.constant 0.000000e+00 : f32
    %max3A_17 = vector.broadcast %max3A : f32 to vector<2000x128xf32>
    %max3A_18 = arith.maximumf %add3A_16, %max3A_17 : vector<2000x128xf32>
    %get3A_19 = arith.constant 0 : index
    %get3A_20 = arith.constant 0 : index
    %get3A_21 = vector.load %arg5[%get3A_19, %get3A_20] : memref<128x64xf32, #tpu.memory_space<vmem>>, vector<128x64xf32>
    %dot_general3A = arith.constant dense<0.000000e+00> : vector<2000x64xf32>
    %dot_general3A_22 = tpu.matmul %max3A_18, %get3A_21, %dot_general3A {dimension_numbers = #tpu.dot_dimension_numbers<[1], [0], [0], [1], [0, 0, 1, 1], [], []>, transpose_lhs_hint = false} : vector<2000x128xf32>, vector<128x64xf32>, vector<2000x64xf32> -> vector<2000x64xf32>
    %swap3A = arith.constant 0 : index
    %swap3A_23 = arith.constant 0 : index
    %swap3A_24 = vector.load %arg8[%swap3A, %swap3A_23] : memref<2000x64xf32, #tpu.memory_space<vmem>>, vector<2000x64xf32>
    tpu.vector_store %arg8[%swap3A, %swap3A_23], %dot_general3A_22 {strides = array<i32>} : memref<2000x64xf32, #tpu.memory_space<vmem>>, vector<2000x64xf32>,
    %get3A_25 = arith.constant 0 : index
    %get3A_26 = arith.constant 0 : index
    %get3A_27 = vector.load %arg6[%get3A_25, %get3A_26] : memref<128x64xf32, #tpu.memory_space<vmem>>, vector<128x64xf32>
    %dot_general3A_28 = arith.constant dense<0.000000e+00> : vector<2000x64xf32>
    %dot_general3A_29 = tpu.matmul %max3A_18, %get3A_27, %dot_general3A_28 {dimension_numbers = #tpu.dot_dimension_numbers<[1], [0], [0], [1], [0, 0, 1, 1], [], []>, transpose_lhs_hint = false} : vector<2000x128xf32>, vector<128x64xf32>, vector<2000x64xf32> -> vector<2000x64xf32>
    %get3A_30 = arith.constant 0 : index
    %get3A_31 = arith.constant 0 : index
    %get3A_32 = vector.load %arg7[%get3A_30, %get3A_31] : memref<1x64xf32, #tpu.memory_space<vmem>>, vector<1x64xf32>
    %add3A_33 = vector.broadcast %get3A_32 : vector<1x64xf32> to vector<2000x64xf32>
    %add3A_34 = arith.addf %dot_general3A_29, %add3A_33 : vector<2000x64xf32>
    %swap3A_35 = arith.constant 0 : index
    %swap3A_36 = arith.constant 0 : index
    %swap3A_37 = vector.load %arg9[%swap3A_35, %swap3A_36] : memref<2000x64xf32, #tpu.memory_space<vmem>>, vector<2000x64xf32>
    tpu.vector_store %arg9[%swap3A_35, %swap3A_36], %add3A_34 {strides = array<i32>} : memref<2000x64xf32, #tpu.memory_space<vmem>>, vector<2000x64xf32>,
    return
  }
  func.func @transform_0(%arg0: i32) -> (i32, i32, i32) {
    %c0_i32 = arith.constant 0 : i32
    %c0_i32_0 = arith.constant 0 : i32
    %c0_i32_1 = arith.constant 0 : i32
    return %c0_i32, %arg0, %c0_i32_0 : i32, i32, i32
  }
  func.func @transform_1(%arg0: i32) -> (i32, i32, i32) {
    %c1_i32 = arith.constant 1 : i32
    %c0_i32 = arith.constant 0 : i32
    %c0_i32_0 = arith.constant 0 : i32
    return %c1_i32, %arg0, %c0_i32 : i32, i32, i32
  }
  func.func @transform_2(%arg0: i32) -> (i32, i32) {
    %c0_i32 = arith.constant 0 : i32
    %c0_i32_0 = arith.constant 0 : i32
    return %arg0, %c0_i32 : i32, i32
  }
  func.func @transform_3(%arg0: i32) -> (i32, i32) {
    %c0_i32 = arith.constant 0 : i32
    %c0_i32_0 = arith.constant 0 : i32
    return %arg0, %c0_i32 : i32, i32
  }
  func.func @transform_4(%arg0: i32) -> (i32, i32) {
    %c0_i32 = arith.constant 0 : i32
    %c0_i32_0 = arith.constant 0 : i32
    %c0_i32_1 = arith.constant 0 : i32
    return %c0_i32, %c0_i32_0 : i32, i32
  }
  func.func @transform_5(%arg0: i32) -> (i32, i32) {
    %c0_i32 = arith.constant 0 : i32
    %c0_i32_0 = arith.constant 0 : i32
    %c0_i32_1 = arith.constant 0 : i32
    return %c0_i32, %c0_i32_0 : i32, i32
  }
  func.func @transform_6(%arg0: i32) -> (i32, i32) {
    %c0_i32 = arith.constant 0 : i32
    %c0_i32_0 = arith.constant 0 : i32
    %c0_i32_1 = arith.constant 0 : i32
    return %c0_i32, %c0_i32_0 : i32, i32
  }
  func.func @transform_7(%arg0: i32) -> (i32, i32) {
    %c0_i32 = arith.constant 0 : i32
    %c0_i32_0 = arith.constant 0 : i32
    return %arg0, %c0_i32 : i32, i32
  }
  func.func @transform_8(%arg0: i32) -> (i32, i32) {
    %c0_i32 = arith.constant 0 : i32
    %c0_i32_0 = arith.constant 0 : i32
    return %arg0, %c0_i32 : i32, i32
  }
}

module attributes {stable_mosaic.version = 14 : i64} {
  func.func @_stage_c_body(%arg0: i32, %arg1: memref<1x2000x64xf32, #tpu.memory_space<vmem>>, %arg2: memref<1x2000x64xf32, #tpu.memory_space<vmem>>, %arg3: memref<2000x64xf32, #tpu.memory_space<vmem>>, %arg4: memref<2000x8xf32, #tpu.memory_space<vmem>>, %arg5: memref<2000x64xf32, #tpu.memory_space<vmem>>) attributes {dimension_semantics = [#tpu.dimension_semantics<arbitrary>], iteration_bounds = array<i64: 5>, scalar_prefetch = 0 : i64, scratch_operands = 0 : i64, tpu.core_type = #tpu.core_type<tc>, window_params = [{transform_indices = @transform_0, window_bounds = array<i64: 1, 2000, 64>}, {transform_indices = @transform_1, window_bounds = array<i64: 1, 2000, 64>}, {transform_indices = @transform_2, window_bounds = array<i64: 2000, 64>}, {transform_indices = @transform_3, window_bounds = array<i64: 2000, 8>}, {transform_indices = @transform_4, window_bounds = array<i64: 2000, 64>}]} {
    %get3A = arith.constant 0 : index
    %get3A_0 = arith.constant 0 : index
    %get3A_1 = arith.constant 0 : index
    %get3A_2 = vector.load %arg1[%get3A, %get3A_0, %get3A_1] : memref<1x2000x64xf32, #tpu.memory_space<vmem>>, vector<1x2000x64xf32>
    %get3A_3 = vector.shape_cast %get3A_2 : vector<1x2000x64xf32> to vector<2000x64xf32>
    %get3A_4 = arith.constant 0 : index
    %get3A_5 = arith.constant 0 : index
    %get3A_6 = arith.constant 0 : index
    %get3A_7 = vector.load %arg2[%get3A_4, %get3A_5, %get3A_6] : memref<1x2000x64xf32, #tpu.memory_space<vmem>>, vector<1x2000x64xf32>
    %get3A_8 = vector.shape_cast %get3A_7 : vector<1x2000x64xf32> to vector<2000x64xf32>
    %add3A = arith.addf %get3A_3, %get3A_8 : vector<2000x64xf32>
    %get3A_9 = arith.constant 0 : index
    %get3A_10 = arith.constant 0 : index
    %get3A_11 = vector.load %arg4[%get3A_9, %get3A_10] : memref<2000x8xf32, #tpu.memory_space<vmem>>, vector<2000x1xf32>
    %mul3A = vector.broadcast %get3A_11 : vector<2000x1xf32> to vector<2000x64xf32>
    %mul3A_12 = arith.mulf %add3A, %mul3A : vector<2000x64xf32>
    %get3A_13 = arith.constant 0 : index
    %get3A_14 = arith.constant 0 : index
    %get3A_15 = vector.load %arg3[%get3A_13, %get3A_14] : memref<2000x64xf32, #tpu.memory_space<vmem>>, vector<2000x64xf32>
    %add3A_16 = arith.addf %mul3A_12, %get3A_15 : vector<2000x64xf32>
    %reduce_max3A = arith.constant dense<0xFF800000> : vector<2000xf32>
    %reduce_max3A_17 = vector.multi_reduction <maximumf>, %add3A_16, %reduce_max3A [1] : vector<2000x64xf32> to vector<2000xf32>
    %broadcast_in_dim3A = vector.shape_cast %reduce_max3A_17 : vector<2000xf32> to vector<2000x1xf32>
    %sub3A = vector.broadcast %broadcast_in_dim3A : vector<2000x1xf32> to vector<2000x64xf32>
    %sub3A_18 = arith.subf %add3A_16, %sub3A : vector<2000x64xf32>
    %exp3A = math.exp %sub3A_18 : vector<2000x64xf32>
    %reduce_sum3A = arith.constant dense<0.000000e+00> : vector<2000xf32>
    %reduce_sum3A_19 = vector.multi_reduction <add>, %exp3A, %reduce_sum3A [1] : vector<2000x64xf32> to vector<2000xf32>
    %broadcast_in_dim3A_20 = vector.shape_cast %reduce_sum3A_19 : vector<2000xf32> to vector<2000x1xf32>
    %log3A = math.log %broadcast_in_dim3A_20 : vector<2000x1xf32>
    %sub3A_21 = vector.broadcast %broadcast_in_dim3A : vector<2000x1xf32> to vector<2000x64xf32>
    %sub3A_22 = arith.subf %add3A_16, %sub3A_21 : vector<2000x64xf32>
    %sub3A_23 = vector.broadcast %log3A : vector<2000x1xf32> to vector<2000x64xf32>
    %sub3A_24 = arith.subf %sub3A_22, %sub3A_23 : vector<2000x64xf32>
    %swap3A = arith.constant 0 : index
    %swap3A_25 = arith.constant 0 : index
    %swap3A_26 = vector.load %arg5[%swap3A, %swap3A_25] : memref<2000x64xf32, #tpu.memory_space<vmem>>, vector<2000x64xf32>
    tpu.vector_store %arg5[%swap3A, %swap3A_25], %sub3A_24 {strides = array<i32>} : memref<2000x64xf32, #tpu.memory_space<vmem>>, vector<2000x64xf32>,
    return
  }
  func.func @transform_0(%arg0: i32) -> (i32, i32, i32) {
    %c0_i32 = arith.constant 0 : i32
    %c0_i32_0 = arith.constant 0 : i32
    %c0_i32_1 = arith.constant 0 : i32
    return %c0_i32, %arg0, %c0_i32_0 : i32, i32, i32
  }
  func.func @transform_1(%arg0: i32) -> (i32, i32, i32) {
    %c1_i32 = arith.constant 1 : i32
    %c0_i32 = arith.constant 0 : i32
    %c0_i32_0 = arith.constant 0 : i32
    return %c1_i32, %arg0, %c0_i32 : i32, i32, i32
  }
  func.func @transform_2(%arg0: i32) -> (i32, i32) {
    %c0_i32 = arith.constant 0 : i32
    %c0_i32_0 = arith.constant 0 : i32
    return %arg0, %c0_i32 : i32, i32
  }
  func.func @transform_3(%arg0: i32) -> (i32, i32) {
    %c0_i32 = arith.constant 0 : i32
    %c0_i32_0 = arith.constant 0 : i32
    return %arg0, %c0_i32 : i32, i32
  }
  func.func @transform_4(%arg0: i32) -> (i32, i32) {
    %c0_i32 = arith.constant 0 : i32
    %c0_i32_0 = arith.constant 0 : i32
    return %arg0, %c0_i32 : i32, i32
  }
}

</mosaic_0001>

<sc_bundles>
// kernel: kernel.12.cloned.1.call-start
scs
__scs_entry_jumppad:
0x0: {  	(pc) =	sbr.rel $0x88, $3  }
0x1: {  	(tag) =	ssettag $0x0;
	lr =	simm.s32 $0x1  }
0x2: {  	[smem:$0x3F92] =	sst lr;
	_ =	strace $0xD0000000  }
0x3: {  	_ = 	snop  }
0x4: {  	_ = 	snop  }
0x5: {  	_ = 	snop  }
0x6: {  	_ = 	snop  }
0x7: {  	_ = 	snop  }
__scs_overlays_trampoline_lowered:
0x8: {  	[smem:$0x3FA1] =	sst s0  }
0x9: {  	[smem:$0x3FA2] =	sst s1  }
0xa: {  	[smem:$0x3FA3] =	sst s2  }
0xb: {  	[smem:$0x3FA4] =	sst s3  }
0xc: {  	[smem:$0x3FA5] =	sst s4  }
0xd: {  	[smem:$0x3FA6] =	sst s5  }
0xe: {  	[smem:$0x3FA7] =	sst s6  }
0xf: {  	[smem:$0x3FA8] =	sst s7  }
0x10: {  	[smem:$0x3FA9] =	sst s8  }
0x11: {  	[smem:$0x3FAA] =	sst s9;
	s0 =	simm.s32 @!p0 $0x0  }
0x12: {  	s1 =	sld [smem:$0x3F90];
	s0 =	simm.s32 @p0 $0x1  }
0x13: {  	[smem:$0x3FAB] =	sst s0;
	s0 =	simm.s32 @!p1 $0x0  }
0x14: {  	s2 =	sld [smem:$0x3F8F];
	s0 =	simm.s32 @p1 $0x1  }
0x15: {  	[smem:$0x3FAC] =	sst s0;
	s0 =	simm.s32 @!p2 $0x0  }
0x16: {  	s3 =	sld [smem:$0x3FDB];
	s0 =	simm.s32 @p2 $0x1  }
0x17: {  	s4 =	simm.s32 $0x1BF5;
	[smem:$0x3FAE] =	sst s0  }
0x18: {  	s0 =	sld [smem:$0x3F91];
	_ =	swait.ge [sflag:s4], $0x0  }
0x19: {  	s7 =	sld [smem:$0x3F92]  }
0x1a: {  	s8 =	sadd.s32 $0xFFFFE003, lr  }
0x1b: {  	s9 =	sadd.s32 $0xFFFFFEF7, lr;
	s5 =	simm.s32 $0xFFFFFFFF;
	p2 =	slt.u32 s8, $0xFFFFF086  }
0x1c: {  	p1 =	slt.u32 s9, $0xF7A;
	s5 =	simm.s32 @!p2 $0x0  }
0x1d: {  	s5 =	simm.s32 @p1 $0x1;
	p0 =	seq.s32 s7, s2  }
0x1e: {  	s7 =	smul.u32 @!p0 $0xF7A, s2;
	p2 =	seq.s32 @!p0 s5, $0x0  }
0x1f: {  	s9 =	smul.u32 $0xF7A, s1;
	s8 =	simm.s32 @!p0 $0x1BF5;
	p2 =	por !p2, p0  }
0x20: {  	[sflag:s8] =	ssyncset.s32 @!p0 $0xFFFFF086;
	s6 =	sadd.s32 @!p0 s3, s7;
	s7 =	simm.s32 @!p0 $0x108  }
0x21: {  	s3 =	sadd.s32 s3, s9;
	s6 =	sadd.s32 @!p0 $0x88, s6;
	s7 =	simm.s32 @p2 $0x1082  }
0x22: {  	[simem:s7], [sflag:s8] =	dma.local @!p0 [hbm:s6], $0xF7A  }
0x23: {  	s9 =	sor.u32 $0xD0000000, s2;
	s6 =	simm.s32 $0x108;
	_ =	swait.ge @!p0 [sflag:s8], $0x0  }
0x24: {  	s3 =	sadd.s32 $0x88, s3;
	s6 =	simm.s32 @!p1 $0x1082;
	[sflag:s4] =	ssyncset.s32 $0xFFFFF086  }
0x25: {  	[simem:s6], [sflag:s4] =	dma.local [hbm:s3], $0xF7A  }
0x26: {  	[smem:$0x3F92] =	sst s1;
	(tag) =	ssettag s2;
	_ =	strace s9  }
0x27: {  	s1 =	sld [smem:$0x3FA2]  }
0x28: {  	s2 =	sld [smem:$0x3FA3]  }
0x29: {  	s4 =	sld [smem:$0x3FA5]  }
0x2a: {  	p0 =	seq.s32 s5, $0x0;
	s5 =	sld [smem:$0x3FA6]  }
0x2b: {  	s6 =	sld [smem:$0x3FA7]  }
0x2c: {  	s7 =	sld [smem:$0x3FA8]  }
0x2d: {  	s3 =	simm.s32 $0x108;
	s8 =	sld [smem:$0x3FA9]  }
0x2e: {  	s3 =	simm.s32 @!p0 $0x1082;
	s9 =	sld [smem:$0x3FAA]  }
0x2f: {  	lr =	sadd.s32 s0, s3;
	s0 =	sld [smem:$0x3FA1]  }
0x30: {  	s3 =	sld [smem:$0x3FA4]  }
0x31: {  	[smem:$0x3FAD] =	sst s10  }
0x32: {  	s10 =	sld [smem:$0x3FAB];
	_ =	sdelay $0x3  }
0x33: {  	p0 =	seq.s32 s10, $0x1;
	s10 =	sld [smem:$0x3FAD];
	_ =	sdelay $0x3  }
0x34: {  	[smem:$0x3FAD] =	sst s10  }
0x35: {  	s10 =	sld [smem:$0x3FAC];
	_ =	sdelay $0x3  }
0x36: {  	p1 =	seq.s32 s10, $0x1;
	s10 =	sld [smem:$0x3FAD];
	_ =	sdelay $0x3  }
0x37: {  	[smem:$0x3FAD] =	sst s10  }
0x38: {  	s10 =	sld [smem:$0x3FAE]  }
0x39: {  	_ = 	snop;
	(pc) =	sbr.ind lr, $3  }
0x3a: {  	_ = 	snop  }
0x3b: {  	_ = 	snop  }
0x3c: {  	p2 =	seq.s32 s10, $0x1;
	s10 =	sld [smem:$0x3FAD]  }
0x3d: {  	_ =	shalt  }
0x3e: {  	_ =	shalt  }
0x3f: {  	_ =	shalt  }
0x40: {  	_ =	shalt  }
0x41: {  	_ =	shalt  }
0x42: {  	_ =	shalt  }
0x43: {  	_ =	shalt  }
0x44: {  	_ =	shalt  }
0x45: {  	_ =	shalt  }
0x46: {  	_ =	shalt  }
0x47: {  	_ =	shalt  }
0x48: {  	_ =	shalt  }
0x49: {  	_ =	shalt  }
0x4a: {  	_ =	shalt  }
0x4b: {  	_ =	shalt  }
0x4c: {  	_ =	shalt  }
0x4d: {  	_ =	shalt  }
0x4e: {  	_ =	shalt  }
0x4f: {  	_ =	shalt  }
0x50: {  	_ =	shalt  }
0x51: {  	_ =	shalt  }
0x52: {  	_ =	shalt  }
0x53: {  	_ =	shalt  }
0x54: {  	_ =	shalt  }
0x55: {  	_ =	shalt  }
0x56: {  	_ =	shalt  }
0x57: {  	_ =	shalt  }
0x58: {  	_ =	shalt  }
0x59: {  	_ =	shalt  }
0x5a: {  	_ =	shalt  }
0x5b: {  	_ =	shalt  }
0x5c: {  	_ =	shalt  }
0x5d: {  	_ =	shalt  }
0x5e: {  	_ =	shalt  }
0x5f: {  	_ =	shalt  }
0x60: {  	_ =	shalt  }
0x61: {  	_ =	shalt  }
0x62: {  	_ =	shalt  }
0x63: {  	_ =	shalt  }
0x64: {  	_ =	shalt  }
0x65: {  	_ =	shalt  }
0x66: {  	_ =	shalt  }
0x67: {  	_ =	shalt  }
0x68: {  	_ =	shalt  }
0x69: {  	_ =	shalt  }
0x6a: {  	_ =	shalt  }
0x6b: {  	_ =	shalt  }
0x6c: {  	_ =	shalt  }
0x6d: {  	_ =	shalt  }
0x6e: {  	_ =	shalt  }
0x6f: {  	_ =	shalt  }
0x70: {  	_ =	shalt  }
0x71: {  	_ =	shalt  }
0x72: {  	_ =	shalt  }
0x73: {  	_ =	shalt  }
0x74: {  	_ =	shalt  }
0x75: {  	_ =	shalt  }
0x76: {  	_ =	shalt  }
0x77: {  	_ =	shalt  }
0x78: {  	_ =	shalt  }
0x79: {  	_ =	shalt  }
0x7a: {  	_ =	shalt  }
0x7b: {  	_ =	shalt  }
0x7c: {  	_ =	shalt  }
0x7d: {  	_ =	shalt  }
0x7e: {  	_ =	shalt  }
0x7f: {  	_ =	shalt  }
0x80: {  	_ =	shalt  }
0x81: {  	_ =	shalt  }
0x82: {  	_ =	shalt  }
0x83: {  	_ =	shalt  }
0x84: {  	_ =	shalt  }
0x85: {  	_ =	shalt  }
0x86: {  	_ =	shalt  }
0x87: {  	_ =	shalt  }
.Lfunc_end0:
.L_simem_size_0:
called_computation.1_lowered:
.L_overlay_start_0:
0x88: {  	s2 =	sld [smem:$0x3FD9]  }
0x89: {  	s3 =	sld [smem:$0x3FFE];
	_ =	sdelay $0x1  }
0x8a: {  	s1 =	srdreg.scid  }
0x8b: {  	s0 =	sand.u32 $0x1, s1  }
0x8c: {  	s16 =	sshll.u32 s0, $0xA;
	s2 =	sadd.s32 s3, s2  }
0x8d: {  	s2 =	sadd.s32 s2, s16  }
0x8e: {  	[smem:$0x3FB9] =	sst s2  }
0x8f: {  	_ = 	snop  }
0x90: {  	(tm) =	ssettm $0x1  }
0x91: {  	s17 =	sld [smem:$0x3FFB];
	_ =	sdelay $0x3  }
0x92: {  	_ =	strace s17  }
0x93: {  	s2 =	sld [smem:$0x3FFC];
	_ =	sdelay $0x3  }
0x94: {  	_ =	strace s2  }
0x95: {  	s2 =	sld [smem:$0x3FFD];
	_ =	sdelay $0x3  }
0x96: {  	_ =	strace s2  }
0x97: {  	_ =	strace $0x8FFFFFFF  }
0x98: {  	s18 =	sld [smem:$0x3FDB];
	_ =	sdelay $0x1  }
0x99: {  	s19 =	simm.s32 $_scs_section_size  }
0x9a: {  	s4 =	simm.s32 $_size__tile_overlayer_lowered;
	s5 =	simm.s32 $_tile_overlayer_lowered  }
0x9b: {  	s22 =	simm.s32 $0x1BFF;
	s21 =	sshll.u32 s5, $0x1;
	s2 =	sadd.s32 s19, s18  }
0x9c: {  	s6 =	simm.s32 $0x0;
	s20 =	sshll.u32 s4, $0x1;
	s4 =	sadd.s32 s21, s2  }
0x9d: {  	[timem:s6], [sflag:s22] =	dma.local [hbm:s4], s20  }
0x9e: {  	_ =	swait.ge [sflag:s22], s20  }
0x9f: {  	s3 =	ssub.s32 $0x0, s20;
	[sflag:s22] =	ssyncset.done $0x0  }
0xa0: {  	[sflag:s22] =	ssyncadd.s32 s3;
	_ =	sdelay $0x1  }
0xa1: {  	s23 =	simm.s32 $0x1B8B  }
0xa2: {  	_ =	swait.ge [sflag:s23], $0x1  }
0xa3: {  	[sflag:s23] =	ssyncset.done $0x0  }
0xa4: {  	s25 =	simm.s32 $0x1B8E;
	s24 =	sld [smem:$0x3FFE];
	[sflag:s23] =	ssyncadd.s32 $0xFFFFFFFF  }
0xa5: {  	s26 =	simm.s32 $execute0_lowered;
	[smem:$0x3FD2] =	sst s25  }
0xa6: {  	s4 =	sshll.u32 s26, $0x1;
	_ =	strace $0x80000049;
	[dreg:$0x1] =	wrdreg $0xFFFFFFFF  }
0xa7: {  	s28 =	simm.s32 $_size_execute0_lowered;
	s2 =	sadd.s32 s2, s4;
	[dreg:$0x0] =	wrdreg $0x0  }
0xa8: {  	s4 =	sshll.u32 s28, $0x1;
	[dreg:$0x2] =	wrdreg s2  }
0xa9: {  	[dreg:$0x3] =	wrdreg s4  }
0xaa: {  	[dreg:$0x4] =	wrdreg $0xC0  }
0xab: {  	_ =	task [dreg:s6], $0x5FFFF  }
0xac: {  	[dreg:$0x1] =	wrdreg $0xFFFFFFFF  }
0xad: {  	[dreg:$0x0] =	wrdreg $0x60  }
0xae: {  	[dreg:$0x2] =	wrdreg s24  }
0xaf: {  	[dreg:$0x3] =	wrdreg $0x81000  }
0xb0: {  	[dreg:$0x4] =	wrdreg $0x9  }
0xb1: {  	_ =	task.clear_ibuf [dreg:s6], $0x5FFFF;
	_ =	strace $0x90000049  }
0xb2: {  	s29 =	simm.s32 $0x9;
	_ =	strace $0x8000004B  }
0xb3: {  	_ =	swait.ge [sflag:s29], $0x1  }
0xb4: {  	[sflag:s29] =	ssyncadd.s32 $0xFFFFFFFF  }
0xb5: {  	_ =	strace $0x9000004B  }
0xb6: {  	_ =	sfence  }
0xb7: {  	s30 =	sld [smem:$0x0];
	_ =	sdelay $0x2  }
0xb8: {  	s31 =	sshll.u32 s1, $0xD;
	s1 =	sshrl.u32 s1, $0x2  }
0xb9: {  	s3 =	sand.u32 $0x4000, s31;
	s1 =	sadd.s32 s1, s30  }
0xba: {  	s0 =	sor.u32 s3, s0;
	s1 =	sshll.u32 s1, $0x11  }
0xbb: {  	s0 =	sor.u32 s1, s0  }
0xbc: {  	s0 =	sadd.s32 $0x8F2B, s0  }
0xbd: {  	[sflag:s0] =	ssyncadd.remote.s32 $0x1  }
0xbe: {  	_ =	sfence.sel $0xFFFF  }
0xbf: {  	[dreg:$0x0] =	wrdreg $0xFFFFFFFF;
	(pc) =	sbr.abs _section_cstart, $3  }
0xc0: {  	[dreg:$0x1] =	wrdreg $0xFFFFFFFF  }
0xc1: {  	_ =	task.clear_ibuf [dreg:s6], $0x2FFFF;
	_ =	strace $0x9FFFFFFF  }
0xc2: {  	(tm) =	ssettm $0x7FFFFFFF  }
0xc3: {  	_ =	shalt  }
tec
execute0_lowered:
.L_overlay_start_1:
0x0: {  	(tag) =	ssettag $0x1  }
0x1: {  	s6 =	rddreg [dreg:$0x0]  }
0x2: {  	s1 =	rddreg [dreg:$0x1]  }
0x3: {  	s0 =	rddreg [dreg:$0x2]  }
0x4: {  	s3 =	simm.s32 $0x0;
	s4 =	srdreg.scid;
	s2 =	stileid.u32  }
0x5: {  	s16 =	simm.s32 $0x7D;
	s17 =	simm.s32 $0x0;
	[smem:$0x7FF] =	sst s3  }
0x6: {  	s7 =	sand.u32 $0x1, s4;
	s8 =	smul.u32 $0x13900, s2;
	s4 =	sadd.s32 $0x17C00, s6  }
0x7: {  	s12 =	sadd.s32 $0xDC00, s6;
	s11 =	sadd.s32 $0x3C00, s6;
	s14 =	smul.u32 $0x2800, s2  }
0x8: {  	s30 =	sshll.u32 s2, $0x6;
	_ =	strace $0x8000004A;
	s9 =	smul.u32 $0x139000, s7  }
0x9: {  	s5 =	sshll.u32 s7, $0x4;
	s13 =	smul.u32 $0x28000, s7;
	s7 =	ssub.s32 $0x2, s7  }
0xa: {  	s5 =	sor.u32 s2, s5;
	s29 =	sshrl.u32 s7, $0x1;
	s31 =	sadd.s32 s8, s1  }
0xb: {  	s10 =	smul.u32 $0x2800, s5;
	s5 =	sadd.s32 $0x3EE00, s6;
	s9 =	sadd.s32 s8, s9  }
0xc: {  	s15 =	ssub.s32 s7, s29;
	s13 =	sadd.s32 s14, s13;
	s8 =	sor.u32 $0x1C0D, s30  }
.Ltmp0:
0xd: {  	s14 =	sshrl.u32 s31, $0x3;
	s9 =	sshrl.u32 s9, $0x3;
	(pc) =	sbr.rel .LBB2_1-.Ltmp0, $4  }
0xe: {  	s13 =	sor.u32 $0x80, s13;
	s9 =	sadd.s32 s9, s6;
	s10 =	sshrl.u32 s10, $0x3  }
0xf: {  	s13 =	sshrl.u32 s13, $0x3;
	s6 =	sadd.s32 s12, s10;
	s7 =	sadd.s32 s11, s10  }
0x10: {  	s9 =	sadd.s32 $0x41600, s9;
	s10 =	smax.u32 s15, $0x1;
	s11 =	sadd.s32 s13, s11  }
0x11: {  	s12 =	sadd.s32 s13, s12;
	s13 =	simm.s32 $0x200;
	s15 =	simm.s32 $0xD  }
.LBB2_8:
0x12: {  	s17 =	sadd.s32 $0x1, s17  }
0x13: {  	p0 =	sne.s32 s17, s10  }
.Ltmp1:
0x14: {  	[bflag:$0x0] =	sbarrier.arrive $0xFFFF;
	(pc) =	sbr.rel @!p0 .LBB2_9-.Ltmp1, $4  }
0x15: {  	[hbm:s9], [sflag:s8] =	dma.local [spmem:s14], $0x2720  }
0x16: {  	_ =	swait.ge [sflag:s15], $0x2720  }
0x17: {  	[sflag:s15] =	ssyncset.done $0x0  }
0x18: {  	[sflag:s15] =	ssyncadd.s32 $0xFFFFD8E0  }
.LBB2_1:
0x19: {  	[tilespmem:s3], [sflag:$0x1] =	stream.linear.gather [hbm4b:s6+s3], $0x80, $0x38;
	[tilespmem:$0x1BA00] =	vst v63  }
0x1a: {  	_ = 	snop  }
0x1b: {  	[tilespmem:s13], [sflag:$0x5] =	stream.linear.gather [hbm4b:s7+s3], $0x80, $0x38;
	[tilespmem:$0x1BA00] =	vst v63  }
0x1c: {  	[spmem:s14], [sflag:s8] =	dma.local [hbm:s5], $0x2720  }
.Ltmp2:
0x1d: {  	_ =	swait.ge [sflag:s15], $0x2720;
	(pc) =	sbr.rel .LBB2_2-.Ltmp2, $4  }
0x1e: {  	[sflag:s15] =	ssyncset.done $0x0  }
0x1f: {  	[sflag:s15] =	ssyncadd.s32 $0xFFFFD8E0  }
0x20: {  	[bflag:$0x0] =	sbarrier.arrive $0xFFFF  }
0x21: {  	s18 =	smov.u32 s12;
	s19 =	smov.u32 s11;
	s20 =	simm.s32 $0x0  }
.LBB2_5:
0x22: {  	s22 =	sadd.s32 $0x1, s20  }
0x23: {  	s22 =	sand.u32 $0x3, s22  }
0x24: {  	s23 =	sshll.u32 s22, $0x7;
	s24 =	sadd.s32 $0x1, s22  }
0x25: {  	[tilespmem:s23], [sflag:s24] =	stream.linear.gather [hbm4b:s18+s3], $0x80, $0x38;
	[tilespmem:$0x1BA00] =	vst v63  }
0x26: {  	s22 =	sadd.s32 $0x5, s22;
	s23 =	sor.u32 $0x200, s23  }
0x27: {  	[tilespmem:s23], [sflag:s22] =	stream.linear.gather [hbm4b:s19+s3], $0x80, $0x38;
	[tilespmem:$0x1BA00] =	vst v63  }
.LBB2_6:
0x28: {  	s22 =	sand.u32 $0x3, s20  }
0x29: {  	s24 =	smul.u32 $0xFA00, s21;
	s23 =	sadd.s32 $0x1, s22  }
0x2a: {  	_ =	swait.ge [sflag:s23], $0x80  }
0x2b: {  	s31 =	sadd.s32 $0x9, s21;
	s24 =	sshrl.u32 s24, $0x2;
	[sflag:s23] =	ssyncset.done $0x0  }
0x2c: {  	s22 =	sshll.u32 s22, $0x7;
	s30 =	sadd.s32 $0x400, s24;
	[sflag:s23] =	ssyncadd.s32 $0xFFFFFF80  }
0x2d: {  	[tilespmem:s30], [sflag:s31] =	stream.indirect.gather [hbm4b:s4+s16], $0x80, s22, s16, $0xb8;
	[tilespmem:$0x1BA00] =	vst v63  }
.LBB2_7:
0x2e: {  	p0 =	seq.s32 s20, $0x0  }
0x2f: {  	p1 =	seq.s32 @!p0 s20, $0x51  }
0x30: {  	s21 =	sxor.u32 $0x1, s21;
	p0 =	por p1, p0  }
0x31: {  	s22 =	sadd.s32 @!p0 $0x9, s21  }
0x32: {  	s23 =	sadd.s32 $0xFFFFFFFF, s20;
	_ =	swait.ge @!p0 [sflag:s22], $0x3E80  }
0x33: {  	s23 =	sand.u32 $0x3, s23;
	s24 =	smul.u32 @!p0 $0xFA00, s21;
	[sflag:s22] =	ssyncset.done @!p0 $0x0  }
0x34: {  	s20 =	sadd.s32 $0x1, s20;
	[sflag:s22] =	ssyncadd.s32 @!p0 $0xFFFFC180;
	s22 =	sadd.s32 @!p0 $0x5, s23  }
0x35: {  	s21 =	sadd.s32 @!p0 $0xB, s21;
	s24 =	sshrl.u32 @!p0 s24, $0x2;
	_ =	swait.ge @!p0 [sflag:s22], $0x80  }
0x36: {  	s23 =	sshll.u32 @!p0 s23, $0x7;
	s24 =	sadd.s32 @!p0 $0x400, s24;
	[sflag:s22] =	ssyncset.done @!p0 $0x0  }
0x37: {  	s23 =	sor.u32 @!p0 $0x200, s23;
	[sflag:s22] =	ssyncadd.s32 @!p0 $0xFFFFFF80;
	s22 =	simm.s32 @!p0 $0x7D  }
0x38: {  	[spmem:s1] =	stream.indirect.scatter.add.f32 @!p0 [tilespmem:s24], [sflag:s21], $0x80, s23, s22, $0xb8;
	[tilespmem:$0x1BA00] =	vst v63  }
0x39: {  	p0 =	sne.s32 s20, $0x52  }
.Ltmp3:
0x3a: {  	_ = 	snop;
	(pc) =	sbr.rel @!p0 .LBB2_8-.Ltmp3, $2  }
0x3b: {  	_ =	sdelay $0x2  }
0x3c: {  	s19 =	sadd.s32 $0x10, s19;
	s18 =	sadd.s32 $0x10, s18  }
.LBB2_2:
0x3d: {  	p0 =	slt.u32 s20, $0x2  }
.Ltmp4:
0x3e: {  	_ = 	snop;
	(pc) =	sbr.rel @p0 .LBB2_5-.Ltmp4, $2  }
0x3f: {  	_ =	sdelay $0x2  }
0x40: {  	s21 =	sand.u32 $0x1, s20  }
0x41: {  	p0 =	sgt.u32 s20, $0x4F  }
.Ltmp5:
0x42: {  	_ = 	snop;
	(pc) =	sbr.rel @p0 .LBB2_7-.Ltmp5, $4  }
0x43: {  	s22 =	sadd.s32 $0xB, s21  }
0x44: {  	_ =	swait.ge [sflag:s22], $0x3E80  }
0x45: {  	[sflag:s22] =	ssyncset.done $0x0  }
0x46: {  	[sflag:s22] =	ssyncadd.s32 $0xFFFFC180  }
0x47: {  	p0 =	seq.s32 s20, $0x4F  }
.Ltmp6:
0x48: {  	_ = 	snop;
	(pc) =	sbr.rel @p0 .LBB2_6-.Ltmp6, $4  }
.Ltmp7:
0x49: {  	_ = 	snop;
	(pc) =	sbr.rel @!p0 .LBB2_5-.Ltmp7, $4  }
0x4a: {  	_ = 	snop  }
0x4b: {  	_ = 	snop  }
0x4c: {  	_ = 	snop  }
0x4d: {  	_ = 	snop  }
.LBB2_9:
0x4e: {  	_ =	sfence.sel $0x180000  }
0x4f: {  	[bflag:$0x0] =	sbarrier.arrive $0xFFFF  }
0x50: {  	p0 =	sne.s32 s2, $0x0;
	_ =	strace $0x9000004A  }
0x51: {  	s0 =	sadd.s32 @!p0 $0x100000, s0;
	[bflag:$0x2] =	sbarrier.arrive $0xFFFF  }
0x52: {  	[sflag:s0] =	ssyncadd.tile.s32 @!p0 $0x1;
	_ =	shalt  }
.Lfunc_end2:
_tile_overlayer_lowered:
.L_overlay_start_2:
0x53: {  	(tag) =	ssettag $0x2  }
0x54: {  	s0 =	rddreg [dreg:$0x0];
	s2 =	stileid.u32  }
0x55: {  	s1 =	rddreg [dreg:$0x1];
	p0 =	sne.s32 s2, $0x0  }
0x56: {  	s3 =	rddreg [dreg:$0x2];
	[bflag:$0x3] =	sbarrier.arrive $0xFFFF;
	s2 =	simm.s32 @!p0 $0x1C0D  }
0x57: {  	[timem:s3], [sflag:s2] =	dma.local @!p0 [hbm:s0], s1  }
0x58: {  	s0 =	simm.s32 @!p0 $0xD  }
0x59: {  	_ =	swait.ge @!p0 [sflag:s0], s1  }
0x5a: {  	s1 =	ssub.s32 @!p0 $0x0, s1;
	[sflag:s0] =	ssyncset.done @!p0 $0x0  }
0x5b: {  	[sflag:s0] =	ssyncadd.s32 @!p0 s1  }
0x5c: {  	[bflag:$0x3] =	sbarrier.arrive $0xFFFF  }
0x5d: {  	_ =	shalt  }

// kernel: kernel.15.cloned.1.call-start
scs
__scs_entry_jumppad:
0x0: {  	(pc) =	sbr.rel $0x88, $3  }
0x1: {  	(tag) =	ssettag $0x0;
	lr =	simm.s32 $0x1  }
0x2: {  	[smem:$0x3F92] =	sst lr;
	_ =	strace $0xD0000000  }
0x3: {  	_ = 	snop  }
0x4: {  	_ = 	snop  }
0x5: {  	_ = 	snop  }
0x6: {  	_ = 	snop  }
0x7: {  	_ = 	snop  }
__scs_overlays_trampoline_lowered:
0x8: {  	[smem:$0x3FA1] =	sst s0  }
0x9: {  	[smem:$0x3FA2] =	sst s1  }
0xa: {  	[smem:$0x3FA3] =	sst s2  }
0xb: {  	[smem:$0x3FA4] =	sst s3  }
0xc: {  	[smem:$0x3FA5] =	sst s4  }
0xd: {  	[smem:$0x3FA6] =	sst s5  }
0xe: {  	[smem:$0x3FA7] =	sst s6  }
0xf: {  	[smem:$0x3FA8] =	sst s7  }
0x10: {  	[smem:$0x3FA9] =	sst s8  }
0x11: {  	[smem:$0x3FAA] =	sst s9;
	s0 =	simm.s32 @!p0 $0x0  }
0x12: {  	s1 =	sld [smem:$0x3F90];
	s0 =	simm.s32 @p0 $0x1  }
0x13: {  	[smem:$0x3FAB] =	sst s0;
	s0 =	simm.s32 @!p1 $0x0  }
0x14: {  	s2 =	sld [smem:$0x3F8F];
	s0 =	simm.s32 @p1 $0x1  }
0x15: {  	[smem:$0x3FAC] =	sst s0;
	s0 =	simm.s32 @!p2 $0x0  }
0x16: {  	s3 =	sld [smem:$0x3FDB];
	s0 =	simm.s32 @p2 $0x1  }
0x17: {  	s4 =	simm.s32 $0x1BF5;
	[smem:$0x3FAE] =	sst s0  }
0x18: {  	s0 =	sld [smem:$0x3F91];
	_ =	swait.ge [sflag:s4], $0x0  }
0x19: {  	s7 =	sld [smem:$0x3F92]  }
0x1a: {  	s8 =	sadd.s32 $0xFFFFE003, lr  }
0x1b: {  	s9 =	sadd.s32 $0xFFFFFEF7, lr;
	s5 =	simm.s32 $0xFFFFFFFF;
	p2 =	slt.u32 s8, $0xFFFFF086  }
0x1c: {  	p1 =	slt.u32 s9, $0xF7A;
	s5 =	simm.s32 @!p2 $0x0  }
0x1d: {  	s5 =	simm.s32 @p1 $0x1;
	p0 =	seq.s32 s7, s2  }
0x1e: {  	s7 =	smul.u32 @!p0 $0xF7A, s2;
	p2 =	seq.s32 @!p0 s5, $0x0  }
0x1f: {  	s9 =	smul.u32 $0xF7A, s1;
	s8 =	simm.s32 @!p0 $0x1BF5;
	p2 =	por !p2, p0  }
0x20: {  	[sflag:s8] =	ssyncset.s32 @!p0 $0xFFFFF086;
	s6 =	sadd.s32 @!p0 s3, s7;
	s7 =	simm.s32 @!p0 $0x108  }
0x21: {  	s3 =	sadd.s32 s3, s9;
	s6 =	sadd.s32 @!p0 $0x88, s6;
	s7 =	simm.s32 @p2 $0x1082  }
0x22: {  	[simem:s7], [sflag:s8] =	dma.local @!p0 [hbm:s6], $0xF7A  }
0x23: {  	s9 =	sor.u32 $0xD0000000, s2;
	s6 =	simm.s32 $0x108;
	_ =	swait.ge @!p0 [sflag:s8], $0x0  }
0x24: {  	s3 =	sadd.s32 $0x88, s3;
	s6 =	simm.s32 @!p1 $0x1082;
	[sflag:s4] =	ssyncset.s32 $0xFFFFF086  }
0x25: {  	[simem:s6], [sflag:s4] =	dma.local [hbm:s3], $0xF7A  }
0x26: {  	[smem:$0x3F92] =	sst s1;
	(tag) =	ssettag s2;
	_ =	strace s9  }
0x27: {  	s1 =	sld [smem:$0x3FA2]  }
0x28: {  	s2 =	sld [smem:$0x3FA3]  }
0x29: {  	s4 =	sld [smem:$0x3FA5]  }
0x2a: {  	p0 =	seq.s32 s5, $0x0;
	s5 =	sld [smem:$0x3FA6]  }
0x2b: {  	s6 =	sld [smem:$0x3FA7]  }
0x2c: {  	s7 =	sld [smem:$0x3FA8]  }
0x2d: {  	s3 =	simm.s32 $0x108;
	s8 =	sld [smem:$0x3FA9]  }
0x2e: {  	s3 =	simm.s32 @!p0 $0x1082;
	s9 =	sld [smem:$0x3FAA]  }
0x2f: {  	lr =	sadd.s32 s0, s3;
	s0 =	sld [smem:$0x3FA1]  }
0x30: {  	s3 =	sld [smem:$0x3FA4]  }
0x31: {  	[smem:$0x3FAD] =	sst s10  }
0x32: {  	s10 =	sld [smem:$0x3FAB];
	_ =	sdelay $0x3  }
0x33: {  	p0 =	seq.s32 s10, $0x1;
	s10 =	sld [smem:$0x3FAD];
	_ =	sdelay $0x3  }
0x34: {  	[smem:$0x3FAD] =	sst s10  }
0x35: {  	s10 =	sld [smem:$0x3FAC];
	_ =	sdelay $0x3  }
0x36: {  	p1 =	seq.s32 s10, $0x1;
	s10 =	sld [smem:$0x3FAD];
	_ =	sdelay $0x3  }
0x37: {  	[smem:$0x3FAD] =	sst s10  }
0x38: {  	s10 =	sld [smem:$0x3FAE]  }
0x39: {  	_ = 	snop;
	(pc) =	sbr.ind lr, $3  }
0x3a: {  	_ = 	snop  }
0x3b: {  	_ = 	snop  }
0x3c: {  	p2 =	seq.s32 s10, $0x1;
	s10 =	sld [smem:$0x3FAD]  }
0x3d: {  	_ =	shalt  }
0x3e: {  	_ =	shalt  }
0x3f: {  	_ =	shalt  }
0x40: {  	_ =	shalt  }
0x41: {  	_ =	shalt  }
0x42: {  	_ =	shalt  }
0x43: {  	_ =	shalt  }
0x44: {  	_ =	shalt  }
0x45: {  	_ =	shalt  }
0x46: {  	_ =	shalt  }
0x47: {  	_ =	shalt  }
0x48: {  	_ =	shalt  }
0x49: {  	_ =	shalt  }
0x4a: {  	_ =	shalt  }
0x4b: {  	_ =	shalt  }
0x4c: {  	_ =	shalt  }
0x4d: {  	_ =	shalt  }
0x4e: {  	_ =	shalt  }
0x4f: {  	_ =	shalt  }
0x50: {  	_ =	shalt  }
0x51: {  	_ =	shalt  }
0x52: {  	_ =	shalt  }
0x53: {  	_ =	shalt  }
0x54: {  	_ =	shalt  }
0x55: {  	_ =	shalt  }
0x56: {  	_ =	shalt  }
0x57: {  	_ =	shalt  }
0x58: {  	_ =	shalt  }
0x59: {  	_ =	shalt  }
0x5a: {  	_ =	shalt  }
0x5b: {  	_ =	shalt  }
0x5c: {  	_ =	shalt  }
0x5d: {  	_ =	shalt  }
0x5e: {  	_ =	shalt  }
0x5f: {  	_ =	shalt  }
0x60: {  	_ =	shalt  }
0x61: {  	_ =	shalt  }
0x62: {  	_ =	shalt  }
0x63: {  	_ =	shalt  }
0x64: {  	_ =	shalt  }
0x65: {  	_ =	shalt  }
0x66: {  	_ =	shalt  }
0x67: {  	_ =	shalt  }
0x68: {  	_ =	shalt  }
0x69: {  	_ =	shalt  }
0x6a: {  	_ =	shalt  }
0x6b: {  	_ =	shalt  }
0x6c: {  	_ =	shalt  }
0x6d: {  	_ =	shalt  }
0x6e: {  	_ =	shalt  }
0x6f: {  	_ =	shalt  }
0x70: {  	_ =	shalt  }
0x71: {  	_ =	shalt  }
0x72: {  	_ =	shalt  }
0x73: {  	_ =	shalt  }
0x74: {  	_ =	shalt  }
0x75: {  	_ =	shalt  }
0x76: {  	_ =	shalt  }
0x77: {  	_ =	shalt  }
0x78: {  	_ =	shalt  }
0x79: {  	_ =	shalt  }
0x7a: {  	_ =	shalt  }
0x7b: {  	_ =	shalt  }
0x7c: {  	_ =	shalt  }
0x7d: {  	_ =	shalt  }
0x7e: {  	_ =	shalt  }
0x7f: {  	_ =	shalt  }
0x80: {  	_ =	shalt  }
0x81: {  	_ =	shalt  }
0x82: {  	_ =	shalt  }
0x83: {  	_ =	shalt  }
0x84: {  	_ =	shalt  }
0x85: {  	_ =	shalt  }
0x86: {  	_ =	shalt  }
0x87: {  	_ =	shalt  }
.Lfunc_end0:
.L_simem_size_0:
called_computation.2_lowered:
.L_overlay_start_0:
0x88: {  	s2 =	sld [smem:$0x3FD9]  }
0x89: {  	s3 =	sld [smem:$0x3FFE];
	_ =	sdelay $0x1  }
0x8a: {  	s1 =	srdreg.scid  }
0x8b: {  	s0 =	sand.u32 $0x1, s1  }
0x8c: {  	s17 =	sshll.u32 s0, $0xA;
	s2 =	sadd.s32 s3, s2  }
0x8d: {  	s2 =	sadd.s32 s2, s17  }
0x8e: {  	[smem:$0x3FB9] =	sst s2  }
0x8f: {  	_ = 	snop  }
0x90: {  	s2 =	sld [smem:$0x3FD0];
	(tm) =	ssettm $0x1  }
0x91: {  	s18 =	sld [smem:$0x3FFB];
	_ =	sdelay $0x3  }
0x92: {  	_ =	strace s18  }
0x93: {  	s3 =	sld [smem:$0x3FFC];
	_ =	sdelay $0x3  }
0x94: {  	_ =	strace s3  }
0x95: {  	s3 =	sld [smem:$0x3FFD];
	_ =	sdelay $0x3  }
0x96: {  	_ =	strace s3  }
0x97: {  	_ =	strace $0x8FFFFFFF  }
0x98: {  	s19 =	sld [smem:$0x3FDB];
	_ =	sdelay $0x1  }
0x99: {  	s4 =	simm.s32 $_scs_section_size  }
0x9a: {  	s5 =	simm.s32 $_size__tile_overlayer_lowered;
	s6 =	simm.s32 $_tile_overlayer_lowered  }
0x9b: {  	s22 =	simm.s32 $0x1BFF;
	s21 =	sshll.u32 s6, $0x1;
	s3 =	sadd.s32 s4, s19  }
0x9c: {  	s7 =	simm.s32 $0x0;
	s20 =	sshll.u32 s5, $0x1;
	s5 =	sadd.s32 s21, s3  }
0x9d: {  	[timem:s7], [sflag:s22] =	dma.local [hbm:s5], s20  }
0x9e: {  	_ =	swait.ge [sflag:s22], s20  }
0x9f: {  	s4 =	ssub.s32 $0x0, s20;
	[sflag:s22] =	ssyncset.done $0x0  }
0xa0: {  	[sflag:s22] =	ssyncadd.s32 s4;
	_ =	sdelay $0x1  }
0xa1: {  	s23 =	simm.s32 $0x1B8B  }
0xa2: {  	_ =	swait.ge [sflag:s23], $0x1  }
0xa3: {  	[sflag:s23] =	ssyncset.done $0x0  }
0xa4: {  	s25 =	simm.s32 $0x1B8E;
	s24 =	sld [smem:$0x3FFE];
	[sflag:s23] =	ssyncadd.s32 $0xFFFFFFFF  }
0xa5: {  	s26 =	simm.s32 $execute0_lowered;
	[smem:$0x3FD2] =	sst s25  }
0xa6: {  	s5 =	sshll.u32 s26, $0x1;
	_ =	strace $0x8000004C;
	[dreg:$0x1] =	wrdreg $0xFFFFFFFF  }
0xa7: {  	s28 =	simm.s32 $_size_execute0_lowered;
	s3 =	sadd.s32 s3, s5;
	[dreg:$0x0] =	wrdreg $0x0  }
0xa8: {  	s5 =	sshll.u32 s28, $0x1;
	[dreg:$0x2] =	wrdreg s3  }
0xa9: {  	[dreg:$0x3] =	wrdreg s5  }
0xaa: {  	[dreg:$0x4] =	wrdreg $0xC0  }
0xab: {  	_ =	task [dreg:s7], $0x5FFFF  }
0xac: {  	[dreg:$0x1] =	wrdreg $0xFFFFFFFF  }
0xad: {  	[dreg:$0x0] =	wrdreg $0x60  }
0xae: {  	[dreg:$0x2] =	wrdreg s2  }
0xaf: {  	[dreg:$0x3] =	wrdreg s24  }
0xb0: {  	[dreg:$0x4] =	wrdreg $0x42800  }
0xb1: {  	[dreg:$0x5] =	wrdreg $0x9  }
0xb2: {  	_ =	task.clear_ibuf [dreg:s7], $0x6FFFF;
	_ =	strace $0x9000004C  }
0xb3: {  	s29 =	simm.s32 $0x9;
	_ =	strace $0x8000004E  }
0xb4: {  	_ =	swait.ge [sflag:s29], $0x1  }
0xb5: {  	[sflag:s29] =	ssyncadd.s32 $0xFFFFFFFF  }
0xb6: {  	_ =	strace $0x9000004E  }
0xb7: {  	_ =	sfence  }
0xb8: {  	s30 =	sld [smem:$0x0];
	_ =	sdelay $0x2  }
0xb9: {  	s31 =	sshll.u32 s1, $0xD;
	s1 =	sshrl.u32 s1, $0x2  }
0xba: {  	s3 =	sand.u32 $0x4000, s31;
	s1 =	sadd.s32 s1, s30  }
0xbb: {  	s0 =	sor.u32 s3, s0;
	s1 =	sshll.u32 s1, $0x11  }
0xbc: {  	s0 =	sor.u32 s1, s0  }
0xbd: {  	s0 =	sadd.s32 $0x8F2B, s0  }
0xbe: {  	[sflag:s0] =	ssyncadd.remote.s32 $0x1  }
0xbf: {  	_ =	sfence.sel $0xFFFF  }
0xc0: {  	[dreg:$0x0] =	wrdreg $0xFFFFFFFF;
	(pc) =	sbr.abs _section_cstart, $3  }
0xc1: {  	[dreg:$0x1] =	wrdreg $0xFFFFFFFF  }
0xc2: {  	_ =	task.clear_ibuf [dreg:s7], $0x2FFFF;
	_ =	strace $0x9FFFFFFF  }
0xc3: {  	(tm) =	ssettm $0x7FFFFFFF  }
tec
execute0_lowered:
.L_overlay_start_1:
0x0: {  	(tag) =	ssettag $0x1  }
0x1: {  	s1 =	rddreg [dreg:$0x0]  }
0x2: {  	s6 =	rddreg [dreg:$0x1]  }
0x3: {  	s3 =	rddreg [dreg:$0x2]  }
0x4: {  	s0 =	rddreg [dreg:$0x3];
	s5 =	srdreg.scid;
	s4 =	simm.s32 $0x0  }
0x5: {  	s2 =	stileid.u32;
	s16 =	simm.s32 $0x7D;
	s17 =	simm.s32 $0x0  }
0x6: {  	s7 =	sand.u32 $0x1, s5;
	[smem:$0x7FF] =	sst s4;
	s8 =	smul.u32 $0x9C80, s2  }
0x7: {  	s12 =	sadd.s32 $0xDC00, s6;
	s11 =	sadd.s32 $0x3C00, s6;
	s14 =	smul.u32 $0x2800, s2  }
0x8: {  	s30 =	sshll.u32 s2, $0x6;
	s5 =	sshll.u32 s7, $0x4;
	s9 =	smul.u32 $0x9C800, s7  }
0x9: {  	_ =	strace $0x8000004D;
	s13 =	smul.u32 $0x28000, s7;
	s7 =	ssub.s32 $0x2, s7  }
0xa: {  	s5 =	sor.u32 s2, s5;
	s29 =	sshrl.u32 s7, $0x1;
	s31 =	sadd.s32 s8, s3  }
0xb: {  	s10 =	smul.u32 $0x2800, s5;
	s5 =	sadd.s32 $0x17C00, s6;
	s9 =	sadd.s32 s8, s9  }
0xc: {  	s15 =	ssub.s32 s7, s29;
	s13 =	sadd.s32 s14, s13;
	s8 =	sor.u32 $0x1C0D, s30  }
.Ltmp0:
0xd: {  	s14 =	sshrl.u32 s31, $0x3;
	s9 =	sshrl.u32 s9, $0x3;
	(pc) =	sbr.rel .LBB2_1-.Ltmp0, $4  }
0xe: {  	s13 =	sor.u32 $0x80, s13;
	s9 =	sadd.s32 s9, s6;
	s10 =	sshrl.u32 s10, $0x3  }
0xf: {  	s13 =	sshrl.u32 s13, $0x3;
	s6 =	sadd.s32 s12, s10;
	s7 =	sadd.s32 s11, s10  }
0x10: {  	s9 =	sadd.s32 $0x19000, s9;
	s10 =	smax.u32 s15, $0x1;
	s11 =	sadd.s32 s13, s11  }
0x11: {  	s12 =	sadd.s32 s13, s12;
	s13 =	simm.s32 $0x200;
	s15 =	simm.s32 $0xD  }
.LBB2_8:
0x12: {  	s17 =	sadd.s32 $0x1, s17  }
0x13: {  	p0 =	sne.s32 s17, s10  }
.Ltmp1:
0x14: {  	[bflag:$0x0] =	sbarrier.arrive $0xFFFF;
	(pc) =	sbr.rel @!p0 .LBB2_9-.Ltmp1, $4  }
0x15: {  	[hbm:s9], [sflag:s8] =	dma.local [spmem:s14], $0x1390  }
0x16: {  	_ =	swait.ge [sflag:s15], $0x1390  }
0x17: {  	[sflag:s15] =	ssyncset.done $0x0  }
0x18: {  	[sflag:s15] =	ssyncadd.s32 $0xFFFFEC70  }
.LBB2_1:
0x19: {  	[tilespmem:s4], [sflag:$0x1] =	stream.linear.gather [hbm4b:s6+s4], $0x80, $0x38;
	[tilespmem:$0xDF00] =	vst v63  }
0x1a: {  	_ = 	snop  }
0x1b: {  	[tilespmem:s13], [sflag:$0x5] =	stream.linear.gather [hbm4b:s7+s4], $0x80, $0x38;
	[tilespmem:$0xDF00] =	vst v63  }
0x1c: {  	[spmem:s14], [sflag:s8] =	dma.local [hbm:s5], $0x1390  }
.Ltmp2:
0x1d: {  	_ =	swait.ge [sflag:s15], $0x1390;
	(pc) =	sbr.rel .LBB2_2-.Ltmp2, $4  }
0x1e: {  	[sflag:s15] =	ssyncset.done $0x0  }
0x1f: {  	[sflag:s15] =	ssyncadd.s32 $0xFFFFEC70  }
0x20: {  	[bflag:$0x0] =	sbarrier.arrive $0xFFFF  }
0x21: {  	s18 =	smov.u32 s12;
	s19 =	smov.u32 s11;
	s20 =	simm.s32 $0x0  }
.LBB2_5:
0x22: {  	s22 =	sadd.s32 $0x1, s20  }
0x23: {  	s22 =	sand.u32 $0x3, s22  }
0x24: {  	s23 =	sshll.u32 s22, $0x7;
	s24 =	sadd.s32 $0x1, s22  }
0x25: {  	[tilespmem:s23], [sflag:s24] =	stream.linear.gather [hbm4b:s18+s4], $0x80, $0x38;
	[tilespmem:$0xDF00] =	vst v63  }
0x26: {  	s22 =	sadd.s32 $0x5, s22;
	s23 =	sor.u32 $0x200, s23  }
0x27: {  	[tilespmem:s23], [sflag:s22] =	stream.linear.gather [hbm4b:s19+s4], $0x80, $0x38;
	[tilespmem:$0xDF00] =	vst v63  }
.LBB2_6:
0x28: {  	s22 =	sand.u32 $0x3, s20  }
0x29: {  	s24 =	smul.u32 $0x7D00, s21;
	s23 =	sadd.s32 $0x1, s22  }
0x2a: {  	_ =	swait.ge [sflag:s23], $0x80  }
0x2b: {  	s31 =	sadd.s32 $0x9, s21;
	s24 =	sshrl.u32 s24, $0x2;
	[sflag:s23] =	ssyncset.done $0x0  }
0x2c: {  	s22 =	sshll.u32 s22, $0x7;
	s30 =	sadd.s32 $0x400, s24;
	[sflag:s23] =	ssyncadd.s32 $0xFFFFFF80  }
0x2d: {  	[tilespmem:s30], [sflag:s31] =	stream.indirect.gather [hbm4b:s1+s16], $0x40, s22, s16, $0xb8;
	[tilespmem:$0xDF00] =	vst v63  }
.LBB2_7:
0x2e: {  	p0 =	seq.s32 s20, $0x0  }
0x2f: {  	p1 =	seq.s32 @!p0 s20, $0x51  }
0x30: {  	s21 =	sxor.u32 $0x1, s21;
	p0 =	por p1, p0  }
0x31: {  	s22 =	sadd.s32 @!p0 $0x9, s21  }
0x32: {  	s23 =	sadd.s32 $0xFFFFFFFF, s20;
	_ =	swait.ge @!p0 [sflag:s22], $0x1F40  }
0x33: {  	s23 =	sand.u32 $0x3, s23;
	s24 =	smul.u32 @!p0 $0x7D00, s21;
	[sflag:s22] =	ssyncset.done @!p0 $0x0  }
0x34: {  	s20 =	sadd.s32 $0x1, s20;
	[sflag:s22] =	ssyncadd.s32 @!p0 $0xFFFFE0C0;
	s22 =	sadd.s32 @!p0 $0x5, s23  }
0x35: {  	s21 =	sadd.s32 @!p0 $0xB, s21;
	s24 =	sshrl.u32 @!p0 s24, $0x2;
	_ =	swait.ge @!p0 [sflag:s22], $0x80  }
0x36: {  	s23 =	sshll.u32 @!p0 s23, $0x7;
	s24 =	sadd.s32 @!p0 $0x400, s24;
	[sflag:s22] =	ssyncset.done @!p0 $0x0  }
0x37: {  	s23 =	sor.u32 @!p0 $0x200, s23;
	[sflag:s22] =	ssyncadd.s32 @!p0 $0xFFFFFF80;
	s22 =	simm.s32 @!p0 $0x7D  }
0x38: {  	[spmem:s3] =	stream.indirect.scatter.add.f32 @!p0 [tilespmem:s24], [sflag:s21], $0x40, s23, s22, $0xb8;
	[tilespmem:$0xDF00] =	vst v63  }
0x39: {  	p0 =	sne.s32 s20, $0x52  }
.Ltmp3:
0x3a: {  	_ = 	snop;
	(pc) =	sbr.rel @!p0 .LBB2_8-.Ltmp3, $2  }
0x3b: {  	_ =	sdelay $0x2  }
0x3c: {  	s19 =	sadd.s32 $0x10, s19;
	s18 =	sadd.s32 $0x10, s18  }
.LBB2_2:
0x3d: {  	p0 =	slt.u32 s20, $0x2  }
.Ltmp4:
0x3e: {  	_ = 	snop;
	(pc) =	sbr.rel @p0 .LBB2_5-.Ltmp4, $2  }
0x3f: {  	_ =	sdelay $0x2  }
0x40: {  	s21 =	sand.u32 $0x1, s20  }
0x41: {  	p0 =	sgt.u32 s20, $0x4F  }
.Ltmp5:
0x42: {  	_ = 	snop;
	(pc) =	sbr.rel @p0 .LBB2_7-.Ltmp5, $4  }
0x43: {  	s22 =	sadd.s32 $0xB, s21  }
0x44: {  	_ =	swait.ge [sflag:s22], $0x1F40  }
0x45: {  	[sflag:s22] =	ssyncset.done $0x0  }
0x46: {  	[sflag:s22] =	ssyncadd.s32 $0xFFFFE0C0  }
0x47: {  	p0 =	seq.s32 s20, $0x4F  }
.Ltmp6:
0x48: {  	_ = 	snop;
	(pc) =	sbr.rel @p0 .LBB2_6-.Ltmp6, $4  }
.Ltmp7:
0x49: {  	_ = 	snop;
	(pc) =	sbr.rel @!p0 .LBB2_5-.Ltmp7, $4  }
0x4a: {  	_ = 	snop  }
0x4b: {  	_ = 	snop  }
0x4c: {  	_ = 	snop  }
0x4d: {  	_ = 	snop  }
.LBB2_9:
0x4e: {  	_ =	sfence.sel $0x180000  }
0x4f: {  	[bflag:$0x0] =	sbarrier.arrive $0xFFFF  }
0x50: {  	p0 =	sne.s32 s2, $0x0;
	_ =	strace $0x9000004D  }
0x51: {  	s0 =	sadd.s32 @!p0 $0x100000, s0;
	[bflag:$0x2] =	sbarrier.arrive $0xFFFF  }
0x52: {  	[sflag:s0] =	ssyncadd.tile.s32 @!p0 $0x1;
	_ =	shalt  }
.Lfunc_end2:
_tile_overlayer_lowered:
.L_overlay_start_2:
0x53: {  	(tag) =	ssettag $0x2  }
0x54: {  	s0 =	rddreg [dreg:$0x0];
	s2 =	stileid.u32  }
0x55: {  	s1 =	rddreg [dreg:$0x1];
	p0 =	sne.s32 s2, $0x0  }
0x56: {  	s3 =	rddreg [dreg:$0x2];
	[bflag:$0x3] =	sbarrier.arrive $0xFFFF;
	s2 =	simm.s32 @!p0 $0x1C0D  }
0x57: {  	[timem:s3], [sflag:s2] =	dma.local @!p0 [hbm:s0], s1  }
0x58: {  	s0 =	simm.s32 @!p0 $0xD  }
0x59: {  	_ =	swait.ge @!p0 [sflag:s0], s1  }
0x5a: {  	s1 =	ssub.s32 @!p0 $0x0, s1;
	[sflag:s0] =	ssyncset.done @!p0 $0x0  }
0x5b: {  	[sflag:s0] =	ssyncadd.s32 @!p0 s1  }
0x5c: {  	[bflag:$0x3] =	sbarrier.arrive $0xFFFF  }
0x5d: {  	_ =	shalt  }

// kernel: kernel.9.cloned.1.call-start
scs
__scs_entry_jumppad:
0x0: {  	(pc) =	sbr.rel $0x88, $3  }
0x1: {  	(tag) =	ssettag $0x0;
	lr =	simm.s32 $0x1  }
0x2: {  	[smem:$0x3F92] =	sst lr;
	_ =	strace $0xD0000000  }
0x3: {  	_ = 	snop  }
0x4: {  	_ = 	snop  }
0x5: {  	_ = 	snop  }
0x6: {  	_ = 	snop  }
0x7: {  	_ = 	snop  }
__scs_overlays_trampoline_lowered:
0x8: {  	[smem:$0x3FA1] =	sst s0  }
0x9: {  	[smem:$0x3FA2] =	sst s1  }
0xa: {  	[smem:$0x3FA3] =	sst s2  }
0xb: {  	[smem:$0x3FA4] =	sst s3  }
0xc: {  	[smem:$0x3FA5] =	sst s4  }
0xd: {  	[smem:$0x3FA6] =	sst s5  }
0xe: {  	[smem:$0x3FA7] =	sst s6  }
0xf: {  	[smem:$0x3FA8] =	sst s7  }
0x10: {  	[smem:$0x3FA9] =	sst s8  }
0x11: {  	[smem:$0x3FAA] =	sst s9;
	s0 =	simm.s32 @!p0 $0x0  }
0x12: {  	s1 =	sld [smem:$0x3F90];
	s0 =	simm.s32 @p0 $0x1  }
0x13: {  	[smem:$0x3FAB] =	sst s0;
	s0 =	simm.s32 @!p1 $0x0  }
0x14: {  	s2 =	sld [smem:$0x3F8F];
	s0 =	simm.s32 @p1 $0x1  }
0x15: {  	[smem:$0x3FAC] =	sst s0;
	s0 =	simm.s32 @!p2 $0x0  }
0x16: {  	s3 =	sld [smem:$0x3FDB];
	s0 =	simm.s32 @p2 $0x1  }
0x17: {  	s4 =	simm.s32 $0x1BF5;
	[smem:$0x3FAE] =	sst s0  }
0x18: {  	s0 =	sld [smem:$0x3F91];
	_ =	swait.ge [sflag:s4], $0x0  }
0x19: {  	s7 =	sld [smem:$0x3F92]  }
0x1a: {  	s8 =	sadd.s32 $0xFFFFE003, lr  }
0x1b: {  	s9 =	sadd.s32 $0xFFFFFEF7, lr;
	s5 =	simm.s32 $0xFFFFFFFF;
	p2 =	slt.u32 s8, $0xFFFFF086  }
0x1c: {  	p1 =	slt.u32 s9, $0xF7A;
	s5 =	simm.s32 @!p2 $0x0  }
0x1d: {  	s5 =	simm.s32 @p1 $0x1;
	p0 =	seq.s32 s7, s2  }
0x1e: {  	s7 =	smul.u32 @!p0 $0xF7A, s2;
	p2 =	seq.s32 @!p0 s5, $0x0  }
0x1f: {  	s9 =	smul.u32 $0xF7A, s1;
	s8 =	simm.s32 @!p0 $0x1BF5;
	p2 =	por !p2, p0  }
0x20: {  	[sflag:s8] =	ssyncset.s32 @!p0 $0xFFFFF086;
	s6 =	sadd.s32 @!p0 s3, s7;
	s7 =	simm.s32 @!p0 $0x108  }
0x21: {  	s3 =	sadd.s32 s3, s9;
	s6 =	sadd.s32 @!p0 $0x88, s6;
	s7 =	simm.s32 @p2 $0x1082  }
0x22: {  	[simem:s7], [sflag:s8] =	dma.local @!p0 [hbm:s6], $0xF7A  }
0x23: {  	s9 =	sor.u32 $0xD0000000, s2;
	s6 =	simm.s32 $0x108;
	_ =	swait.ge @!p0 [sflag:s8], $0x0  }
0x24: {  	s3 =	sadd.s32 $0x88, s3;
	s6 =	simm.s32 @!p1 $0x1082;
	[sflag:s4] =	ssyncset.s32 $0xFFFFF086  }
0x25: {  	[simem:s6], [sflag:s4] =	dma.local [hbm:s3], $0xF7A  }
0x26: {  	[smem:$0x3F92] =	sst s1;
	(tag) =	ssettag s2;
	_ =	strace s9  }
0x27: {  	s1 =	sld [smem:$0x3FA2]  }
0x28: {  	s2 =	sld [smem:$0x3FA3]  }
0x29: {  	s4 =	sld [smem:$0x3FA5]  }
0x2a: {  	p0 =	seq.s32 s5, $0x0;
	s5 =	sld [smem:$0x3FA6]  }
0x2b: {  	s6 =	sld [smem:$0x3FA7]  }
0x2c: {  	s7 =	sld [smem:$0x3FA8]  }
0x2d: {  	s3 =	simm.s32 $0x108;
	s8 =	sld [smem:$0x3FA9]  }
0x2e: {  	s3 =	simm.s32 @!p0 $0x1082;
	s9 =	sld [smem:$0x3FAA]  }
0x2f: {  	lr =	sadd.s32 s0, s3;
	s0 =	sld [smem:$0x3FA1]  }
0x30: {  	s3 =	sld [smem:$0x3FA4]  }
0x31: {  	[smem:$0x3FAD] =	sst s10  }
0x32: {  	s10 =	sld [smem:$0x3FAB];
	_ =	sdelay $0x3  }
0x33: {  	p0 =	seq.s32 s10, $0x1;
	s10 =	sld [smem:$0x3FAD];
	_ =	sdelay $0x3  }
0x34: {  	[smem:$0x3FAD] =	sst s10  }
0x35: {  	s10 =	sld [smem:$0x3FAC];
	_ =	sdelay $0x3  }
0x36: {  	p1 =	seq.s32 s10, $0x1;
	s10 =	sld [smem:$0x3FAD];
	_ =	sdelay $0x3  }
0x37: {  	[smem:$0x3FAD] =	sst s10  }
0x38: {  	s10 =	sld [smem:$0x3FAE]  }
0x39: {  	_ = 	snop;
	(pc) =	sbr.ind lr, $3  }
0x3a: {  	_ = 	snop  }
0x3b: {  	_ = 	snop  }
0x3c: {  	p2 =	seq.s32 s10, $0x1;
	s10 =	sld [smem:$0x3FAD]  }
0x3d: {  	_ =	shalt  }
0x3e: {  	_ =	shalt  }
0x3f: {  	_ =	shalt  }
0x40: {  	_ =	shalt  }
0x41: {  	_ =	shalt  }
0x42: {  	_ =	shalt  }
0x43: {  	_ =	shalt  }
0x44: {  	_ =	shalt  }
0x45: {  	_ =	shalt  }
0x46: {  	_ =	shalt  }
0x47: {  	_ =	shalt  }
0x48: {  	_ =	shalt  }
0x49: {  	_ =	shalt  }
0x4a: {  	_ =	shalt  }
0x4b: {  	_ =	shalt  }
0x4c: {  	_ =	shalt  }
0x4d: {  	_ =	shalt  }
0x4e: {  	_ =	shalt  }
0x4f: {  	_ =	shalt  }
0x50: {  	_ =	shalt  }
0x51: {  	_ =	shalt  }
0x52: {  	_ =	shalt  }
0x53: {  	_ =	shalt  }
0x54: {  	_ =	shalt  }
0x55: {  	_ =	shalt  }
0x56: {  	_ =	shalt  }
0x57: {  	_ =	shalt  }
0x58: {  	_ =	shalt  }
0x59: {  	_ =	shalt  }
0x5a: {  	_ =	shalt  }
0x5b: {  	_ =	shalt  }
0x5c: {  	_ =	shalt  }
0x5d: {  	_ =	shalt  }
0x5e: {  	_ =	shalt  }
0x5f: {  	_ =	shalt  }
0x60: {  	_ =	shalt  }
0x61: {  	_ =	shalt  }
0x62: {  	_ =	shalt  }
0x63: {  	_ =	shalt  }
0x64: {  	_ =	shalt  }
0x65: {  	_ =	shalt  }
0x66: {  	_ =	shalt  }
0x67: {  	_ =	shalt  }
0x68: {  	_ =	shalt  }
0x69: {  	_ =	shalt  }
0x6a: {  	_ =	shalt  }
0x6b: {  	_ =	shalt  }
0x6c: {  	_ =	shalt  }
0x6d: {  	_ =	shalt  }
0x6e: {  	_ =	shalt  }
0x6f: {  	_ =	shalt  }
0x70: {  	_ =	shalt  }
0x71: {  	_ =	shalt  }
0x72: {  	_ =	shalt  }
0x73: {  	_ =	shalt  }
0x74: {  	_ =	shalt  }
0x75: {  	_ =	shalt  }
0x76: {  	_ =	shalt  }
0x77: {  	_ =	shalt  }
0x78: {  	_ =	shalt  }
0x79: {  	_ =	shalt  }
0x7a: {  	_ =	shalt  }
0x7b: {  	_ =	shalt  }
0x7c: {  	_ =	shalt  }
0x7d: {  	_ =	shalt  }
0x7e: {  	_ =	shalt  }
0x7f: {  	_ =	shalt  }
0x80: {  	_ =	shalt  }
0x81: {  	_ =	shalt  }
0x82: {  	_ =	shalt  }
0x83: {  	_ =	shalt  }
0x84: {  	_ =	shalt  }
0x85: {  	_ =	shalt  }
0x86: {  	_ =	shalt  }
0x87: {  	_ =	shalt  }
.Lfunc_end0:
.L_simem_size_0:
called_computation_lowered:
.L_overlay_start_0:
0x88: {  	s2 =	sld [smem:$0x3FD9]  }
0x89: {  	s3 =	sld [smem:$0x3FFE];
	_ =	sdelay $0x1  }
0x8a: {  	s1 =	srdreg.scid  }
0x8b: {  	s0 =	sand.u32 $0x1, s1  }
0x8c: {  	s17 =	sshll.u32 s0, $0xA;
	s2 =	sadd.s32 s3, s2  }
0x8d: {  	s2 =	sadd.s32 s2, s17  }
0x8e: {  	[smem:$0x3FB9] =	sst s2  }
0x8f: {  	_ = 	snop  }
0x90: {  	s2 =	sld [smem:$0x3FD0];
	(tm) =	ssettm $0x1  }
0x91: {  	s18 =	sld [smem:$0x3FFB];
	_ =	sdelay $0x3  }
0x92: {  	_ =	strace s18  }
0x93: {  	s3 =	sld [smem:$0x3FFC];
	_ =	sdelay $0x3  }
0x94: {  	_ =	strace s3  }
0x95: {  	s3 =	sld [smem:$0x3FFD];
	_ =	sdelay $0x3  }
0x96: {  	_ =	strace s3  }
0x97: {  	_ =	strace $0x8FFFFFFF  }
0x98: {  	s19 =	sld [smem:$0x3FDB];
	_ =	sdelay $0x1  }
0x99: {  	s4 =	simm.s32 $_scs_section_size  }
0x9a: {  	s5 =	simm.s32 $_size__tile_overlayer_lowered;
	s6 =	simm.s32 $_tile_overlayer_lowered  }
0x9b: {  	s22 =	simm.s32 $0x1BFF;
	s21 =	sshll.u32 s6, $0x1;
	s3 =	sadd.s32 s4, s19  }
0x9c: {  	s7 =	simm.s32 $0x0;
	s20 =	sshll.u32 s5, $0x1;
	s5 =	sadd.s32 s21, s3  }
0x9d: {  	[timem:s7], [sflag:s22] =	dma.local [hbm:s5], s20  }
0x9e: {  	_ =	swait.ge [sflag:s22], s20  }
0x9f: {  	s4 =	ssub.s32 $0x0, s20;
	[sflag:s22] =	ssyncset.done $0x0  }
0xa0: {  	[sflag:s22] =	ssyncadd.s32 s4;
	_ =	sdelay $0x1  }
0xa1: {  	s23 =	simm.s32 $0x1B8B  }
0xa2: {  	_ =	swait.ge [sflag:s23], $0x1  }
0xa3: {  	[sflag:s23] =	ssyncset.done $0x0  }
0xa4: {  	s25 =	simm.s32 $0x1B8E;
	s24 =	sld [smem:$0x3FFE];
	[sflag:s23] =	ssyncadd.s32 $0xFFFFFFFF  }
0xa5: {  	s26 =	simm.s32 $execute0_lowered;
	[smem:$0x3FD2] =	sst s25  }
0xa6: {  	s5 =	sshll.u32 s26, $0x1;
	_ =	strace $0x80000046;
	[dreg:$0x1] =	wrdreg $0xFFFFFFFF  }
0xa7: {  	s28 =	simm.s32 $_size_execute0_lowered;
	s3 =	sadd.s32 s3, s5;
	[dreg:$0x0] =	wrdreg $0x0  }
0xa8: {  	s5 =	sshll.u32 s28, $0x1;
	[dreg:$0x2] =	wrdreg s3  }
0xa9: {  	[dreg:$0x3] =	wrdreg s5  }
0xaa: {  	[dreg:$0x4] =	wrdreg $0xC0  }
0xab: {  	_ =	task [dreg:s7], $0x5FFFF  }
0xac: {  	[dreg:$0x1] =	wrdreg $0xFFFFFFFF  }
0xad: {  	[dreg:$0x0] =	wrdreg $0x60  }
0xae: {  	[dreg:$0x2] =	wrdreg s24  }
0xaf: {  	[dreg:$0x3] =	wrdreg s2  }
0xb0: {  	[dreg:$0x4] =	wrdreg $0x81000  }
0xb1: {  	[dreg:$0x5] =	wrdreg $0x1C1D00  }
0xb2: {  	[dreg:$0x6] =	wrdreg $0x9  }
0xb3: {  	_ =	task.clear_ibuf [dreg:s7], $0x7FFFF;
	_ =	strace $0x90000046  }
0xb4: {  	s29 =	simm.s32 $0x9;
	_ =	strace $0x80000048  }
0xb5: {  	_ =	swait.ge [sflag:s29], $0x1  }
0xb6: {  	[sflag:s29] =	ssyncadd.s32 $0xFFFFFFFF  }
0xb7: {  	_ =	strace $0x90000048  }
0xb8: {  	_ =	sfence  }
0xb9: {  	s30 =	sld [smem:$0x0];
	_ =	sdelay $0x2  }
0xba: {  	s31 =	sshll.u32 s1, $0xD;
	s1 =	sshrl.u32 s1, $0x2  }
0xbb: {  	s3 =	sand.u32 $0x4000, s31;
	s1 =	sadd.s32 s1, s30  }
0xbc: {  	s0 =	sor.u32 s3, s0;
	s1 =	sshll.u32 s1, $0x11  }
0xbd: {  	s0 =	sor.u32 s1, s0  }
0xbe: {  	s0 =	sadd.s32 $0x8F2B, s0  }
0xbf: {  	[sflag:s0] =	ssyncadd.remote.s32 $0x1  }
0xc0: {  	_ =	sfence.sel $0xFFFF  }
0xc1: {  	[dreg:$0x0] =	wrdreg $0xFFFFFFFF;
	(pc) =	sbr.abs _section_cstart, $3  }
0xc2: {  	[dreg:$0x1] =	wrdreg $0xFFFFFFFF  }
0xc3: {  	_ =	task.clear_ibuf [dreg:s7], $0x2FFFF;
	_ =	strace $0x9FFFFFFF  }
0xc4: {  	(tm) =	ssettm $0x7FFFFFFF  }
0xc5: {  	_ =	shalt  }
tec
execute0_lowered:
.L_overlay_start_1:
0x0: {  	(tag) =	ssettag $0x1  }
0x1: {  	s9 =	rddreg [dreg:$0x0]  }
0x2: {  	s14 =	rddreg [dreg:$0x1]  }
0x3: {  	s1 =	rddreg [dreg:$0x2]  }
0x4: {  	s2 =	rddreg [dreg:$0x3]  }
0x5: {  	s4 =	simm.s32 $0x0;
	s6 =	srdreg.scid;
	s0 =	stileid.u32  }
0x6: {  	s23 =	simm.s32 $0x0;
	[smem:$0x7FF] =	sst s4;
	s11 =	smul.u32 $0x13900, s0  }
0x7: {  	s5 =	sadd.s32 $0x17C00, s9;
	s10 =	sand.u32 $0x1, s6;
	s15 =	smul.u32 $0x2720, s0  }
0x8: {  	s17 =	sadd.s32 $0xDC00, s9;
	s16 =	sadd.s32 $0x3C00, s9;
	s21 =	smul.u32 $0x2800, s0  }
0x9: {  	s6 =	sadd.s32 $0x3EE00, s9;
	s29 =	sshll.u32 s0, $0x6;
	s8 =	smul.u32 $0x139000, s10  }
0xa: {  	_ =	strace $0x80000047;
	s7 =	sshll.u32 s10, $0x4;
	s18 =	smul.u32 $0x27200, s10  }
0xb: {  	s28 =	ssub.s32 $0x2, s10;
	s20 =	smul.u32 $0x28000, s10;
	s12 =	sor.u32 s0, s7  }
0xc: {  	s7 =	sadd.s32 $0x41C00, s9;
	s19 =	sshrl.u32 s28, $0x1;
	s22 =	sadd.s32 s11, s1  }
0xd: {  	s13 =	sadd.s32 s11, s8;
	s12 =	smul.u32 $0x2800, s12;
	s8 =	sadd.s32 $0x41600, s9  }
0xe: {  	s19 =	ssub.s32 s28, s19;
	s11 =	sor.u32 $0x1C0F, s29;
	s18 =	sadd.s32 s15, s18  }
0xf: {  	s20 =	sadd.s32 s21, s20;
	s21 =	simm.s32 $0x1BA00;
	s13 =	sshrl.u32 s13, $0x3  }
0x10: {  	s30 =	sshrl.u32 s18, $0x3;
	s31 =	sor.u32 $0x80, s20;
	s20 =	simm.s32 $0xF  }
.Ltmp0:
0x11: {  	s13 =	sadd.s32 s13, s9;
	s12 =	sshrl.u32 s12, $0x3;
	(pc) =	sbr.rel .LBB2_1-.Ltmp0, $4  }
0x12: {  	s14 =	sadd.s32 s14, s30;
	s18 =	sshrl.u32 s31, $0x3;
	s9 =	sadd.s32 s17, s12  }
0x13: {  	s10 =	sadd.s32 s16, s12;
	s12 =	sadd.s32 s15, s2;
	s13 =	sadd.s32 $0x41E00, s13  }
0x14: {  	s15 =	smax.u32 s19, $0x1;
	s16 =	sadd.s32 s18, s16;
	s17 =	sadd.s32 s18, s17  }
0x15: {  	s18 =	simm.s32 $0x200;
	s19 =	sshrl.u32 s22, $0x3;
	s22 =	simm.s32 $0x7D  }
.LBB2_8:
0x16: {  	[bflag:$0x0] =	sbarrier.arrive $0xFFFF  }
0x17: {  	[hbm:s13], [sflag:s11] =	dma.local [spmem:s19], $0x2720  }
0x18: {  	s23 =	sadd.s32 $0x1, s23;
	_ =	swait.ge [sflag:s20], $0x2720  }
0x19: {  	p0 =	sne.s32 s23, s15;
	[sflag:s20] =	ssyncset.done $0x0  }
.Ltmp1:
0x1a: {  	[sflag:s20] =	ssyncadd.s32 $0xFFFFD8E0;
	(pc) =	sbr.rel @!p0 .LBB2_9-.Ltmp1, $4  }
0x1b: {  	[hbm:s14], [sflag:s11] =	dma.local [spmem:s24], $0x4E4  }
0x1c: {  	_ =	swait.ge [sflag:s20], $0x4E4  }
0x1d: {  	[sflag:s20] =	ssyncset.done $0x0  }
0x1e: {  	[sflag:s20] =	ssyncadd.s32 $0xFFFFFB1C  }
.LBB2_1:
0x1f: {  	[tilespmem:s4], [sflag:$0x1] =	stream.linear.gather [hbm4b:s9+s4], $0x80, $0x38;
	[tilespmem:$0x1E8F0] =	vst v63  }
0x20: {  	_ = 	snop  }
0x21: {  	[tilespmem:s18], [sflag:$0x5] =	stream.linear.gather [hbm4b:s10+s4], $0x80, $0x38;
	[tilespmem:$0x1E8F0] =	vst v63  }
0x22: {  	[spmem:s19], [sflag:s11] =	dma.local [hbm:s6], $0x2720  }
0x23: {  	_ =	swait.ge [sflag:s20], $0x2720  }
0x24: {  	[sflag:s20] =	ssyncset.done $0x0  }
0x25: {  	[sflag:s20] =	ssyncadd.s32 $0xFFFFD8E0  }
0x26: {  	[tilespmem:s21], [sflag:$0xF] =	stream.linear.gather [hbm4b:s7+s4], $0x7D0, $0x38;
	[tilespmem:$0x1E8F0] =	vst v63  }
0x27: {  	_ =	swait.ge [sflag:s20], $0x7D0  }
0x28: {  	[sflag:s20] =	ssyncset.done $0x0  }
0x29: {  	s24 =	sshrl.u32 s12, $0x3;
	[sflag:s20] =	ssyncadd.s32 $0xFFFFF830  }
0x2a: {  	[spmem:s24], [sflag:s11] =	dma.local [hbm:s8], $0x4E4  }
.Ltmp2:
0x2b: {  	_ =	swait.ge [sflag:s20], $0x4E4;
	(pc) =	sbr.rel .LBB2_2-.Ltmp2, $4  }
0x2c: {  	[sflag:s20] =	ssyncset.done $0x0  }
0x2d: {  	[sflag:s20] =	ssyncadd.s32 $0xFFFFFB1C  }
0x2e: {  	[bflag:$0x0] =	sbarrier.arrive $0xFFFF  }
0x2f: {  	s25 =	smov.u32 s17;
	s26 =	smov.u32 s16;
	s28 =	simm.s32 $0x0  }
.LBB2_5:
0x30: {  	s30 =	sadd.s32 $0x1, s28  }
0x31: {  	s30 =	sand.u32 $0x3, s30  }
0x32: {  	s31 =	sshll.u32 s30, $0x7;
	s0 =	sadd.s32 $0x1, s30  }
0x33: {  	[tilespmem:s31], [sflag:s0] =	stream.linear.gather [hbm4b:s25+s4], $0x80, $0x38;
	[tilespmem:$0x1E8F0] =	vst v63  }
0x34: {  	s30 =	sadd.s32 $0x5, s30;
	s31 =	sor.u32 $0x200, s31  }
0x35: {  	[tilespmem:s31], [sflag:s30] =	stream.linear.gather [hbm4b:s26+s4], $0x80, $0x38;
	[tilespmem:$0x1E8F0] =	vst v63  }
.LBB2_6:
0x36: {  	s0 =	sand.u32 $0x3, s28  }
0x37: {  	s31 =	smul.u32 $0xFA00, s29;
	s30 =	sadd.s32 $0x1, s0  }
0x38: {  	_ =	swait.ge [sflag:s30], $0x80  }
0x39: {  	s3 =	sadd.s32 $0x9, s29;
	s31 =	sshrl.u32 s31, $0x2;
	[sflag:s30] =	ssyncset.done $0x0  }
0x3a: {  	s0 =	sshll.u32 s0, $0x7;
	[sflag:s30] =	ssyncadd.s32 $0xFFFFFF80;
	s30 =	sadd.s32 $0x400, s31  }
0x3b: {  	[tilespmem:s30], [sflag:s3] =	stream.indirect.gather [hbm4b:s5+s22], $0x80, s0, s22, $0xb8;
	[tilespmem:$0x1E8F0] =	vst v63  }
.LBB2_7:
0x3c: {  	p0 =	seq.s32 s28, $0x0  }
0x3d: {  	p1 =	seq.s32 @!p0 s28, $0x51  }
0x3e: {  	s0 =	sxor.u32 $0x1, s29;
	p0 =	por p1, p0  }
0x3f: {  	s29 =	sadd.s32 @!p0 $0x9, s0  }
0x40: {  	s30 =	sadd.s32 $0xFFFFFFFF, s28;
	_ =	swait.ge @!p0 [sflag:s29], $0x3E80  }
0x41: {  	s30 =	sand.u32 $0x3, s30;
	s31 =	smul.u32 @!p0 $0xFA00, s0;
	[sflag:s29] =	ssyncset.done @!p0 $0x0  }
0x42: {  	[sflag:s29] =	ssyncadd.s32 @!p0 $0xFFFFC180;
	s29 =	sadd.s32 @!p0 $0x5, s30  }
0x43: {  	s3 =	simm.s32 @!p0 $0x7D;
	s31 =	sshrl.u32 @!p0 s31, $0x2;
	_ =	swait.ge @!p0 [sflag:s29], $0x80  }
0x44: {  	s30 =	sshll.u32 @!p0 s30, $0x7;
	s31 =	sadd.s32 @!p0 $0x400, s31;
	[sflag:s29] =	ssyncset.done @!p0 $0x0  }
0x45: {  	s30 =	sor.u32 @!p0 $0x200, s30;
	[sflag:s29] =	ssyncadd.s32 @!p0 $0xFFFFFF80;
	s29 =	sadd.s32 @!p0 $0xB, s0  }
0x46: {  	[spmem:s1] =	stream.indirect.scatter.add.f32 @!p0 [tilespmem:s31], [sflag:s29], $0x80, s30, s3, $0xb8;
	[tilespmem:$0x1E8F0] =	vst v63  }
0x47: {  	s28 =	sadd.s32 $0x1, s28;
	s0 =	sadd.s32 @!p0 $0xD, s0;
	s29 =	simm.s32 @!p0 $0x1BA00  }
0x48: {  	[spmem:s2] =	stream.indirect.scatter.add.f32 @!p0 [tilespmem:s29], [sflag:s0], $0x10, s30, s3, $0xb8;
	[tilespmem:$0x1E8F0] =	vst v63  }
0x49: {  	p0 =	sne.s32 s28, $0x52  }
.Ltmp3:
0x4a: {  	_ = 	snop;
	(pc) =	sbr.rel @!p0 .LBB2_8-.Ltmp3, $2  }
0x4b: {  	_ =	sdelay $0x2  }
0x4c: {  	s26 =	sadd.s32 $0x10, s26;
	s25 =	sadd.s32 $0x10, s25  }
.LBB2_2:
0x4d: {  	p0 =	slt.u32 s28, $0x2  }
.Ltmp4:
0x4e: {  	_ = 	snop;
	(pc) =	sbr.rel @p0 .LBB2_5-.Ltmp4, $2  }
0x4f: {  	_ =	sdelay $0x2  }
0x50: {  	s29 =	sand.u32 $0x1, s28  }
0x51: {  	s30 =	sadd.s32 $0xB, s29  }
0x52: {  	p0 =	sgt.u32 s28, $0x4F;
	_ =	swait.ge [sflag:s30], $0x3E80  }
.Ltmp5:
0x53: {  	[sflag:s30] =	ssyncset.done $0x0;
	(pc) =	sbr.rel @p0 .LBB2_7-.Ltmp5, $4  }
0x54: {  	s31 =	sadd.s32 $0xD, s29;
	[sflag:s30] =	ssyncadd.s32 $0xFFFFC180  }
0x55: {  	_ =	swait.ge [sflag:s31], $0x7D0  }
0x56: {  	[sflag:s31] =	ssyncset.done $0x0  }
0x57: {  	[sflag:s31] =	ssyncadd.s32 $0xFFFFF830  }
0x58: {  	p0 =	seq.s32 s28, $0x4F  }
.Ltmp6:
0x59: {  	_ = 	snop;
	(pc) =	sbr.rel @p0 .LBB2_6-.Ltmp6, $4  }
.Ltmp7:
0x5a: {  	_ = 	snop;
	(pc) =	sbr.rel @!p0 .LBB2_5-.Ltmp7, $4  }
0x5b: {  	_ = 	snop  }
0x5c: {  	_ = 	snop  }
0x5d: {  	_ = 	snop  }
0x5e: {  	_ = 	snop  }
.LBB2_9:
0x5f: {  	_ =	sfence.sel $0x180000  }
0x60: {  	[bflag:$0x0] =	sbarrier.arrive $0xFFFF  }
0x61: {  	_ =	strace $0x90000047  }
0x62: {  	s0 =	stileid.u32;
	[bflag:$0x2] =	sbarrier.arrive $0xFFFF  }
0x63: {  	p0 =	sne.s32 s0, $0x0;
	s0 =	rddreg [dreg:$0x4]  }
0x64: {  	s0 =	sadd.s32 @!p0 $0x100000, s0  }
0x65: {  	[sflag:s0] =	ssyncadd.tile.s32 @!p0 $0x1;
	_ =	shalt  }
.Lfunc_end2:
_tile_overlayer_lowered:
.L_overlay_start_2:
0x66: {  	(tag) =	ssettag $0x2  }
0x67: {  	s0 =	rddreg [dreg:$0x0];
	s2 =	stileid.u32  }
0x68: {  	s1 =	rddreg [dreg:$0x1];
	p0 =	sne.s32 s2, $0x0  }
0x69: {  	s3 =	rddreg [dreg:$0x2];
	[bflag:$0x3] =	sbarrier.arrive $0xFFFF;
	s2 =	simm.s32 @!p0 $0x1C0F  }
0x6a: {  	[timem:s3], [sflag:s2] =	dma.local @!p0 [hbm:s0], s1  }
0x6b: {  	s0 =	simm.s32 @!p0 $0xF  }
0x6c: {  	_ =	swait.ge @!p0 [sflag:s0], s1  }
0x6d: {  	s1 =	ssub.s32 @!p0 $0x0, s1;
	[sflag:s0] =	ssyncset.done @!p0 $0x0  }
0x6e: {  	[sflag:s0] =	ssyncadd.s32 @!p0 s1  }
0x6f: {  	[bflag:$0x3] =	sbarrier.arrive $0xFFFF  }
0x70: {  	_ =	shalt  }

</sc_bundles>
